<compile_context>
chip_gen: v7x
topology: tpu7x:2x2x1
jax: 0.10.2.dev20260603
libtpu: 0.0.44.dev20260713+nightly
codegen_flags: <defaults>
</compile_context>

<pallas_src>
import functools

import jax
import jax.numpy as jnp
from jax import lax
from jax.experimental import pallas as pl
from jax.experimental.pallas import tpu as pltpu
from jax.experimental.pallas import tpu_sc as plsc


@functools.lru_cache(maxsize=None)
def _build_gather(n_total: int, v: int, d: int):
    info = plsc.get_sparse_core_info()
    nc, ns = info.num_cores, info.num_subcores
    nw = nc * ns
    assert n_total % nw == 0
    n_per_w = n_total // nw
    chunk = 8
    while 2 * (chunk + 8) * d + n_per_w <= 131071:
        chunk += 8
    chunk = min(chunk, n_per_w)
    n_full = n_per_w // chunk
    tail = n_per_w - n_full * chunk
    chunks = [(i * chunk, chunk) for i in range(n_full)]
    if tail:
        chunks.append((n_full * chunk, tail))
    n_chunks = len(chunks)
    nbuf = 2
    n_outer = max((n_full - nbuf) // nbuf, 0)

    mesh = plsc.VectorSubcoreMesh(core_axis_name="c", subcore_axis_name="s")

    @functools.partial(
        pl.kernel,
        mesh=mesh,
        out_type=jax.ShapeDtypeStruct((n_total, d), jnp.float32),
        scratch_types=[
            pltpu.VMEM((n_per_w,), jnp.int32),
            pltpu.VMEM((nbuf, chunk, d), jnp.float32),
            pltpu.SemaphoreType.DMA,
            pltpu.SemaphoreType.DMA,
        ],
    )
    def sc_gather(idx_hbm, table_hbm, out_hbm, idx_v, buf, sem_in, sem_out):
        wid = lax.axis_index("s") * nc + lax.axis_index("c")
        pltpu.sync_copy(idx_hbm.at[wid], idx_v)
        base = wid * n_per_w

        def start_in(off, size, b):
            pltpu.async_copy(
                table_hbm.at[idx_v.at[pl.ds(off, size)]],
                buf.at[b, pl.ds(0, size)],
                sem_in,
            )

        def wait_in(off, size, b):
            pltpu.make_async_copy(
                table_hbm.at[idx_v.at[pl.ds(off, size)]],
                buf.at[b, pl.ds(0, size)],
                sem_in,
            ).wait()

        def start_out(off, size, b):
            pltpu.async_copy(
                buf.at[b, pl.ds(0, size)],
                out_hbm.at[pl.ds(base + off, size)],
                sem_out,
            )

        def wait_out(off, size, b):
            pltpu.make_async_copy(
                buf.at[b, pl.ds(0, size)],
                out_hbm.at[pl.ds(base + off, size)],
                sem_out,
            ).wait()

        def step(k_off, k_size, b, nxt):
            wait_in(k_off, k_size, b)
            start_out(k_off, k_size, b)
            wait_out(k_off, k_size, b)
            if nxt is not None:
                start_in(nxt[0], nxt[1], b)

        for b in range(nbuf):
            start_in(*chunks[b], b)

        def outer(g, carry):
            for b in range(nbuf):
                off = (g * nbuf + b) * chunk
                step(off, chunk, b, (off + nbuf * chunk, chunk))
            return carry

        lax.fori_loop(0, n_outer, outer, 0)

        for k in range(n_outer * nbuf, n_chunks):
            b = k % nbuf
            nxt = chunks[k + nbuf] if k + nbuf < n_chunks else None
            step(*chunks[k], b, nxt)

    def run(pos_ids_flat, table):
        idx2 = pos_ids_flat.reshape(nw, n_per_w)
        return sc_gather(idx2, table)

    return run


def kernel(pos_ids, table):
    b, s = pos_ids.shape
    v, d = table.shape
    run = _build_gather(b * s, v, d)
    out = run(pos_ids.reshape(-1).astype(jnp.int32), table)
    return out.reshape(b, s, d)

# --- scband reference (transcript-rebuilt; emitter-appended) ---
"""Pipeline reference for scband-absolute-positional-embedding-16381005267237 (READ-ONLY COPY).

The authoritative reference and input builder live on the scoring server;
editing this copy changes nothing except your own understanding.
"""

import jax, jax.numpy as jnp
import numpy as np

MAX_SEQ_LEN = 8192
DIM = 1024
BATCH = 4
SEQ = 8192

def setup_inputs(seed: int = 0) -> dict:
    key = jax.random.key(seed)
    k1, k2 = jax.random.split(key)
    pos_ids = jax.random.randint(k1, (BATCH, SEQ), 0, MAX_SEQ_LEN, dtype=jnp.int64 if jax.config.jax_enable_x64 else jnp.int32)
    # learned embedding table, init like nn.Embedding (N(0,1))
    table = jax.random.normal(k2, (MAX_SEQ_LEN, DIM), dtype=jnp.float32)
    return {"pos_ids": pos_ids, "table": table}

def reference(pos_ids, table):
    # nn.Embedding lookup: gather rows of table by pos_ids
    pos_emb = jnp.take(table, pos_ids, axis=0)
    return pos_emb

if __name__ == "__main__":
    import jax
    _d = setup_inputs()
    print(jax.jit(kernel)(*tuple(_d.values())))

</pallas_src>

<mosaic_0001>
#map = affine_map<(d0, d1) -> (0, 0)>
module attributes {stable_mosaic.version = 14 : i64} {
  func.func @sc_gather(%arg0: i32, %arg1: i32, %arg2: memref<32x1024xi32, #tpu.memory_space<hbm>>, %arg3: memref<8192x1024xf32, #tpu.memory_space<hbm>>, %arg4: memref<32768x1024xf32, #tpu.memory_space<hbm>>, %arg5: memref<1024xi32, #tpu.memory_space<vmem>>, %arg6: memref<2x56x1024xf32, #tpu.memory_space<vmem>>, %arg7: memref<!tpu.dma_semaphore, #tpu.memory_space<semaphore_mem>>, %arg8: memref<!tpu.dma_semaphore, #tpu.memory_space<semaphore_mem>>) attributes {dimension_semantics = [#tpu.dimension_semantics<core_parallel>, #tpu.dimension_semantics<subcore_parallel>], iteration_bounds = array<i64: 2, 16>, scalar_prefetch = 0 : i64, scratch_operands = 4 : i64, tpu.core_type = #tpu.core_type<sc_vector_subcore>, window_params = [{transform_indices = #map}, {transform_indices = #map}, {transform_indices = #map}]} {
    %mul3A = arith.constant 2 : i32
    %mul3A_0 = arith.muli %arg1, %mul3A : i32
    %add3A = arith.addi %mul3A_0, %arg0 : i32
    "tpu.region"() ({
      %run_scoped3A = tpu.sem_alloc : memref<!tpu.dma_semaphore, #tpu.memory_space<semaphore_mem>>
      %dma_start3A_156 = arith.constant 0 : i32
      %dma_start3A_157 = tpu.memref_slice %arg2[%add3A, %dma_start3A_156] : memref<32x1024xi32, #tpu.memory_space<hbm>> -> memref<1x1024xi32, #tpu.memory_space<hbm>>
      %dma_start3A_158 = tpu.memref_squeeze %dma_start3A_157 : memref<1x1024xi32, #tpu.memory_space<hbm>> -> memref<1024xi32, #tpu.memory_space<hbm>>
      %dma_start3A_159 = arith.constant 0 : i32
      %dma_start3A_160 = tpu.memref_slice %arg2[%add3A, %dma_start3A_159] : memref<32x1024xi32, #tpu.memory_space<hbm>> -> memref<1x1024xi32, #tpu.memory_space<hbm>>
      %dma_start3A_161 = tpu.memref_squeeze %dma_start3A_160 : memref<1x1024xi32, #tpu.memory_space<hbm>> -> memref<1024xi32, #tpu.memory_space<hbm>>
      tpu.enqueue_dma source(%dma_start3A_161 : memref<1024xi32, #tpu.memory_space<hbm>>) target(%arg5 : memref<1024xi32, #tpu.memory_space<vmem>>) target_semaphore(%run_scoped3A : memref<!tpu.dma_semaphore, #tpu.memory_space<semaphore_mem>>)
      %dma_wait3A_162 = arith.constant 0 : i32
      %dma_wait3A_163 = tpu.memref_slice %arg2[%add3A, %dma_wait3A_162] : memref<32x1024xi32, #tpu.memory_space<hbm>> -> memref<1x1024xi32, #tpu.memory_space<hbm>>
      %dma_wait3A_164 = tpu.memref_squeeze %dma_wait3A_163 : memref<1x1024xi32, #tpu.memory_space<hbm>> -> memref<1024xi32, #tpu.memory_space<hbm>>
      %dma_wait3A_165 = arith.constant 0 : i32
      %dma_wait3A_166 = tpu.memref_slice %arg2[%add3A, %dma_wait3A_165] : memref<32x1024xi32, #tpu.memory_space<hbm>> -> memref<1x1024xi32, #tpu.memory_space<hbm>>
      %dma_wait3A_167 = tpu.memref_squeeze %dma_wait3A_166 : memref<1x1024xi32, #tpu.memory_space<hbm>> -> memref<1024xi32, #tpu.memory_space<hbm>>
      tpu.wait_dma2 semaphore(%run_scoped3A : memref<!tpu.dma_semaphore, #tpu.memory_space<semaphore_mem>>) src(%dma_wait3A_167 : memref<1024xi32, #tpu.memory_space<hbm>>) dst(%arg5 : memref<1024xi32, #tpu.memory_space<vmem>>)
      tpu.yield
    }) : () -> ()
    %mul3A_1 = arith.constant 1024 : i32
    %mul3A_2 = arith.muli %add3A, %mul3A_1 : i32
    %dma_start3A = arith.constant 0 : i32
    %dma_start3A_3 = arith.constant 0 : i32
    %dma_start3A_4 = arith.constant 0 : i32
    %dma_start3A_5 = tpu.memref_slice %arg6[%dma_start3A, %dma_start3A_3, %dma_start3A_4] : memref<2x56x1024xf32, #tpu.memory_space<vmem>> -> memref<1x56x1024xf32, #tpu.memory_space<vmem>>
    %dma_start3A_6 = tpu.memref_squeeze %dma_start3A_5 : memref<1x56x1024xf32, #tpu.memory_space<vmem>> -> memref<56x1024xf32, #tpu.memory_space<vmem>>
    %dma_start3A_7 = arith.constant 0 : i32
    %dma_start3A_8 = tpu.memref_slice %arg5[%dma_start3A_7] : memref<1024xi32, #tpu.memory_space<vmem>> -> memref<56xi32, #tpu.memory_space<vmem>>
    %dma_start3A_9 = arith.constant 0 : i32
    %dma_start3A_10 = arith.constant 0 : i32
    %dma_start3A_11 = tpu.memref_slice %arg3[%dma_start3A_9, %dma_start3A_10] : memref<8192x1024xf32, #tpu.memory_space<hbm>> -> memref<8192x1024xf32, #tpu.memory_space<hbm>>
    tpu.enqueue_indirect_dma source(%dma_start3A_11 : memref<8192x1024xf32, #tpu.memory_space<hbm>>) target(%dma_start3A_6 : memref<56x1024xf32, #tpu.memory_space<vmem>>) offsets(%dma_start3A_8 : memref<56xi32, #tpu.memory_space<vmem>>) semaphore(%arg7 : memref<!tpu.dma_semaphore, #tpu.memory_space<semaphore_mem>>)
    %dma_start3A_12 = arith.constant 1 : i32
    %dma_start3A_13 = arith.constant 0 : i32
    %dma_start3A_14 = arith.constant 0 : i32
    %dma_start3A_15 = tpu.memref_slice %arg6[%dma_start3A_12, %dma_start3A_13, %dma_start3A_14] : memref<2x56x1024xf32, #tpu.memory_space<vmem>> -> memref<1x56x1024xf32, #tpu.memory_space<vmem>>
    %dma_start3A_16 = tpu.memref_squeeze %dma_start3A_15 : memref<1x56x1024xf32, #tpu.memory_space<vmem>> -> memref<56x1024xf32, #tpu.memory_space<vmem>>
    %dma_start3A_17 = arith.constant 56 : i32
    %dma_start3A_18 = tpu.memref_slice %arg5[%dma_start3A_17] : memref<1024xi32, #tpu.memory_space<vmem>> -> memref<56xi32, #tpu.memory_space<vmem>>
    %dma_start3A_19 = arith.constant 0 : i32
    %dma_start3A_20 = arith.constant 0 : i32
    %dma_start3A_21 = tpu.memref_slice %arg3[%dma_start3A_19, %dma_start3A_20] : memref<8192x1024xf32, #tpu.memory_space<hbm>> -> memref<8192x1024xf32, #tpu.memory_space<hbm>>
    tpu.enqueue_indirect_dma source(%dma_start3A_21 : memref<8192x1024xf32, #tpu.memory_space<hbm>>) target(%dma_start3A_16 : memref<56x1024xf32, #tpu.memory_space<vmem>>) offsets(%dma_start3A_18 : memref<56xi32, #tpu.memory_space<vmem>>) semaphore(%arg7 : memref<!tpu.dma_semaphore, #tpu.memory_space<semaphore_mem>>)
    %scan3A = arith.constant 0 : i32
    %scan3A_22 = arith.constant 0 : i32
    %scan3A_23 = arith.constant 8 : i32
    %scan3A_24 = arith.addi %scan3A_22, %scan3A_23 : i32
    %scan3A_25 = arith.constant 1 : i32
    scf.for %scan3A_156 = %scan3A_22 to %scan3A_24 step %scan3A_25  : i32 {
      %mul3A_157 = arith.constant 2 : i32
      %mul3A_158 = arith.muli %scan3A_156, %mul3A_157 : i32
      %add3A_159 = arith.constant 0 : i32
      %add3A_160 = arith.addi %mul3A_158, %add3A_159 : i32
      %mul3A_161 = arith.constant 56 : i32
      %mul3A_162 = arith.muli %add3A_160, %mul3A_161 : i32
      %add3A_163 = arith.constant 112 : i32
      %add3A_164 = arith.addi %mul3A_162, %add3A_163 : i32
      %dma_wait3A_165 = arith.constant 0 : i32
      %dma_wait3A_166 = arith.constant 0 : i32
      %dma_wait3A_167 = arith.constant 0 : i32
      %dma_wait3A_168 = tpu.memref_slice %arg6[%dma_wait3A_165, %dma_wait3A_166, %dma_wait3A_167] : memref<2x56x1024xf32, #tpu.memory_space<vmem>> -> memref<1x56x1024xf32, #tpu.memory_space<vmem>>
      %dma_wait3A_169 = tpu.memref_squeeze %dma_wait3A_168 : memref<1x56x1024xf32, #tpu.memory_space<vmem>> -> memref<56x1024xf32, #tpu.memory_space<vmem>>
      %dma_wait3A_170 = tpu.memref_slice %arg5[%mul3A_162] : memref<1024xi32, #tpu.memory_space<vmem>> -> memref<56xi32, #tpu.memory_space<vmem>>
      %dma_wait3A_171 = arith.constant 0 : i32
      %dma_wait3A_172 = arith.constant 0 : i32
      %dma_wait3A_173 = tpu.memref_slice %arg3[%dma_wait3A_171, %dma_wait3A_172] : memref<8192x1024xf32, #tpu.memory_space<hbm>> -> memref<8192x1024xf32, #tpu.memory_space<hbm>>
      tpu.wait_indirect_dma semaphore(%arg7 : memref<!tpu.dma_semaphore, #tpu.memory_space<semaphore_mem>>) src(%dma_wait3A_173 : memref<8192x1024xf32, #tpu.memory_space<hbm>>) dst(%dma_wait3A_169 : memref<56x1024xf32, #tpu.memory_space<vmem>>)
      %add3A_174 = arith.addi %mul3A_2, %mul3A_162 : i32
      %dma_start3A_175 = arith.constant 0 : i32
      %dma_start3A_176 = arith.constant 0 : i32
      %dma_start3A_177 = arith.constant 0 : i32
      %dma_start3A_178 = tpu.memref_slice %arg6[%dma_start3A_175, %dma_start3A_176, %dma_start3A_177] : memref<2x56x1024xf32, #tpu.memory_space<vmem>> -> memref<1x56x1024xf32, #tpu.memory_space<vmem>>
      %dma_start3A_179 = tpu.memref_squeeze %dma_start3A_178 : memref<1x56x1024xf32, #tpu.memory_space<vmem>> -> memref<56x1024xf32, #tpu.memory_space<vmem>>
      %dma_start3A_180 = arith.constant 0 : i32
      %dma_start3A_181 = tpu.memref_slice %arg4[%add3A_174, %dma_start3A_180] : memref<32768x1024xf32, #tpu.memory_space<hbm>> -> memref<56x1024xf32, #tpu.memory_space<hbm>>
      %dma_start3A_182 = arith.constant 0 : i32
      %dma_start3A_183 = tpu.memref_slice %arg4[%add3A_174, %dma_start3A_182] : memref<32768x1024xf32, #tpu.memory_space<hbm>> -> memref<56x1024xf32, #tpu.memory_space<hbm>>
      %dma_start3A_184 = arith.constant 0 : i32
      %dma_start3A_185 = arith.constant 0 : i32
      %dma_start3A_186 = tpu.memref_slice %arg6[%dma_start3A_175, %dma_start3A_184, %dma_start3A_185] : memref<2x56x1024xf32, #tpu.memory_space<vmem>> -> memref<1x56x1024xf32, #tpu.memory_space<vmem>>
      %dma_start3A_187 = tpu.memref_squeeze %dma_start3A_186 : memref<1x56x1024xf32, #tpu.memory_space<vmem>> -> memref<56x1024xf32, #tpu.memory_space<vmem>>
      tpu.enqueue_dma source(%dma_start3A_187 : memref<56x1024xf32, #tpu.memory_space<vmem>>) target(%dma_start3A_183 : memref<56x1024xf32, #tpu.memory_space<hbm>>) target_semaphore(%arg8 : memref<!tpu.dma_semaphore, #tpu.memory_space<semaphore_mem>>)
      %add3A_188 = arith.addi %mul3A_2, %mul3A_162 : i32
      %dma_wait3A_189 = arith.constant 0 : i32
      %dma_wait3A_190 = arith.constant 0 : i32
      %dma_wait3A_191 = arith.constant 0 : i32
      %dma_wait3A_192 = tpu.memref_slice %arg6[%dma_wait3A_189, %dma_wait3A_190, %dma_wait3A_191] : memref<2x56x1024xf32, #tpu.memory_space<vmem>> -> memref<1x56x1024xf32, #tpu.memory_space<vmem>>
      %dma_wait3A_193 = tpu.memref_squeeze %dma_wait3A_192 : memref<1x56x1024xf32, #tpu.memory_space<vmem>> -> memref<56x1024xf32, #tpu.memory_space<vmem>>
      %dma_wait3A_194 = arith.constant 0 : i32
      %dma_wait3A_195 = tpu.memref_slice %arg4[%add3A_188, %dma_wait3A_194] : memref<32768x1024xf32, #tpu.memory_space<hbm>> -> memref<56x1024xf32, #tpu.memory_space<hbm>>
      %dma_wait3A_196 = arith.constant 0 : i32
      %dma_wait3A_197 = tpu.memref_slice %arg4[%add3A_188, %dma_wait3A_196] : memref<32768x1024xf32, #tpu.memory_space<hbm>> -> memref<56x1024xf32, #tpu.memory_space<hbm>>
      %dma_wait3A_198 = arith.constant 0 : i32
      %dma_wait3A_199 = arith.constant 0 : i32
      %dma_wait3A_200 = tpu.memref_slice %arg6[%dma_wait3A_189, %dma_wait3A_198, %dma_wait3A_199] : memref<2x56x1024xf32, #tpu.memory_space<vmem>> -> memref<1x56x1024xf32, #tpu.memory_space<vmem>>
      %dma_wait3A_201 = tpu.memref_squeeze %dma_wait3A_200 : memref<1x56x1024xf32, #tpu.memory_space<vmem>> -> memref<56x1024xf32, #tpu.memory_space<vmem>>
      tpu.wait_dma2 semaphore(%arg8 : memref<!tpu.dma_semaphore, #tpu.memory_space<semaphore_mem>>) src(%dma_wait3A_201 : memref<56x1024xf32, #tpu.memory_space<vmem>>) dst(%dma_wait3A_197 : memref<56x1024xf32, #tpu.memory_space<hbm>>)
      %dma_start3A_202 = arith.constant 0 : i32
      %dma_start3A_203 = arith.constant 0 : i32
      %dma_start3A_204 = arith.constant 0 : i32
      %dma_start3A_205 = tpu.memref_slice %arg6[%dma_start3A_202, %dma_start3A_203, %dma_start3A_204] : memref<2x56x1024xf32, #tpu.memory_space<vmem>> -> memref<1x56x1024xf32, #tpu.memory_space<vmem>>
      %dma_start3A_206 = tpu.memref_squeeze %dma_start3A_205 : memref<1x56x1024xf32, #tpu.memory_space<vmem>> -> memref<56x1024xf32, #tpu.memory_space<vmem>>
      %dma_start3A_207 = tpu.memref_slice %arg5[%add3A_164] : memref<1024xi32, #tpu.memory_space<vmem>> -> memref<56xi32, #tpu.memory_space<vmem>>
      %dma_start3A_208 = arith.constant 0 : i32
      %dma_start3A_209 = arith.constant 0 : i32
      %dma_start3A_210 = tpu.memref_slice %arg3[%dma_start3A_208, %dma_start3A_209] : memref<8192x1024xf32, #tpu.memory_space<hbm>> -> memref<8192x1024xf32, #tpu.memory_space<hbm>>
      tpu.enqueue_indirect_dma source(%dma_start3A_210 : memref<8192x1024xf32, #tpu.memory_space<hbm>>) target(%dma_start3A_206 : memref<56x1024xf32, #tpu.memory_space<vmem>>) offsets(%dma_start3A_207 : memref<56xi32, #tpu.memory_space<vmem>>) semaphore(%arg7 : memref<!tpu.dma_semaphore, #tpu.memory_space<semaphore_mem>>)
      %mul3A_211 = arith.constant 2 : i32
      %mul3A_212 = arith.muli %scan3A_156, %mul3A_211 : i32
      %add3A_213 = arith.constant 1 : i32
      %add3A_214 = arith.addi %mul3A_212, %add3A_213 : i32
      %mul3A_215 = arith.constant 56 : i32
      %mul3A_216 = arith.muli %add3A_214, %mul3A_215 : i32
      %add3A_217 = arith.constant 112 : i32
      %add3A_218 = arith.addi %mul3A_216, %add3A_217 : i32
      %dma_wait3A_219 = arith.constant 1 : i32
      %dma_wait3A_220 = arith.constant 0 : i32
      %dma_wait3A_221 = arith.constant 0 : i32
      %dma_wait3A_222 = tpu.memref_slice %arg6[%dma_wait3A_219, %dma_wait3A_220, %dma_wait3A_221] : memref<2x56x1024xf32, #tpu.memory_space<vmem>> -> memref<1x56x1024xf32, #tpu.memory_space<vmem>>
      %dma_wait3A_223 = tpu.memref_squeeze %dma_wait3A_222 : memref<1x56x1024xf32, #tpu.memory_space<vmem>> -> memref<56x1024xf32, #tpu.memory_space<vmem>>
      %dma_wait3A_224 = tpu.memref_slice %arg5[%mul3A_216] : memref<1024xi32, #tpu.memory_space<vmem>> -> memref<56xi32, #tpu.memory_space<vmem>>
      %dma_wait3A_225 = arith.constant 0 : i32
      %dma_wait3A_226 = arith.constant 0 : i32
      %dma_wait3A_227 = tpu.memref_slice %arg3[%dma_wait3A_225, %dma_wait3A_226] : memref<8192x1024xf32, #tpu.memory_space<hbm>> -> memref<8192x1024xf32, #tpu.memory_space<hbm>>
      tpu.wait_indirect_dma semaphore(%arg7 : memref<!tpu.dma_semaphore, #tpu.memory_space<semaphore_mem>>) src(%dma_wait3A_227 : memref<8192x1024xf32, #tpu.memory_space<hbm>>) dst(%dma_wait3A_223 : memref<56x1024xf32, #tpu.memory_space<vmem>>)
      %add3A_228 = arith.addi %mul3A_2, %mul3A_216 : i32
      %dma_start3A_229 = arith.constant 1 : i32
      %dma_start3A_230 = arith.constant 0 : i32
      %dma_start3A_231 = arith.constant 0 : i32
      %dma_start3A_232 = tpu.memref_slice %arg6[%dma_start3A_229, %dma_start3A_230, %dma_start3A_231] : memref<2x56x1024xf32, #tpu.memory_space<vmem>> -> memref<1x56x1024xf32, #tpu.memory_space<vmem>>
      %dma_start3A_233 = tpu.memref_squeeze %dma_start3A_232 : memref<1x56x1024xf32, #tpu.memory_space<vmem>> -> memref<56x1024xf32, #tpu.memory_space<vmem>>
      %dma_start3A_234 = arith.constant 0 : i32
      %dma_start3A_235 = tpu.memref_slice %arg4[%add3A_228, %dma_start3A_234] : memref<32768x1024xf32, #tpu.memory_space<hbm>> -> memref<56x1024xf32, #tpu.memory_space<hbm>>
      %dma_start3A_236 = arith.constant 0 : i32
      %dma_start3A_237 = tpu.memref_slice %arg4[%add3A_228, %dma_start3A_236] : memref<32768x1024xf32, #tpu.memory_space<hbm>> -> memref<56x1024xf32, #tpu.memory_space<hbm>>
      %dma_start3A_238 = arith.constant 0 : i32
      %dma_start3A_239 = arith.constant 0 : i32
      %dma_start3A_240 = tpu.memref_slice %arg6[%dma_start3A_229, %dma_start3A_238, %dma_start3A_239] : memref<2x56x1024xf32, #tpu.memory_space<vmem>> -> memref<1x56x1024xf32, #tpu.memory_space<vmem>>
      %dma_start3A_241 = tpu.memref_squeeze %dma_start3A_240 : memref<1x56x1024xf32, #tpu.memory_space<vmem>> -> memref<56x1024xf32, #tpu.memory_space<vmem>>
      tpu.enqueue_dma source(%dma_start3A_241 : memref<56x1024xf32, #tpu.memory_space<vmem>>) target(%dma_start3A_237 : memref<56x1024xf32, #tpu.memory_space<hbm>>) target_semaphore(%arg8 : memref<!tpu.dma_semaphore, #tpu.memory_space<semaphore_mem>>)
      %add3A_242 = arith.addi %mul3A_2, %mul3A_216 : i32
      %dma_wait3A_243 = arith.constant 1 : i32
      %dma_wait3A_244 = arith.constant 0 : i32
      %dma_wait3A_245 = arith.constant 0 : i32
      %dma_wait3A_246 = tpu.memref_slice %arg6[%dma_wait3A_243, %dma_wait3A_244, %dma_wait3A_245] : memref<2x56x1024xf32, #tpu.memory_space<vmem>> -> memref<1x56x1024xf32, #tpu.memory_space<vmem>>
      %dma_wait3A_247 = tpu.memref_squeeze %dma_wait3A_246 : memref<1x56x1024xf32, #tpu.memory_space<vmem>> -> memref<56x1024xf32, #tpu.memory_space<vmem>>
      %dma_wait3A_248 = arith.constant 0 : i32
      %dma_wait3A_249 = tpu.memref_slice %arg4[%add3A_242, %dma_wait3A_248] : memref<32768x1024xf32, #tpu.memory_space<hbm>> -> memref<56x1024xf32, #tpu.memory_space<hbm>>
      %dma_wait3A_250 = arith.constant 0 : i32
      %dma_wait3A_251 = tpu.memref_slice %arg4[%add3A_242, %dma_wait3A_250] : memref<32768x1024xf32, #tpu.memory_space<hbm>> -> memref<56x1024xf32, #tpu.memory_space<hbm>>
      %dma_wait3A_252 = arith.constant 0 : i32
      %dma_wait3A_253 = arith.constant 0 : i32
      %dma_wait3A_254 = tpu.memref_slice %arg6[%dma_wait3A_243, %dma_wait3A_252, %dma_wait3A_253] : memref<2x56x1024xf32, #tpu.memory_space<vmem>> -> memref<1x56x1024xf32, #tpu.memory_space<vmem>>
      %dma_wait3A_255 = tpu.memref_squeeze %dma_wait3A_254 : memref<1x56x1024xf32, #tpu.memory_space<vmem>> -> memref<56x1024xf32, #tpu.memory_space<vmem>>
      tpu.wait_dma2 semaphore(%arg8 : memref<!tpu.dma_semaphore, #tpu.memory_space<semaphore_mem>>) src(%dma_wait3A_255 : memref<56x1024xf32, #tpu.memory_space<vmem>>) dst(%dma_wait3A_251 : memref<56x1024xf32, #tpu.memory_space<hbm>>)
      %dma_start3A_256 = arith.constant 1 : i32
      %dma_start3A_257 = arith.constant 0 : i32
      %dma_start3A_258 = arith.constant 0 : i32
      %dma_start3A_259 = tpu.memref_slice %arg6[%dma_start3A_256, %dma_start3A_257, %dma_start3A_258] : memref<2x56x1024xf32, #tpu.memory_space<vmem>> -> memref<1x56x1024xf32, #tpu.memory_space<vmem>>
      %dma_start3A_260 = tpu.memref_squeeze %dma_start3A_259 : memref<1x56x1024xf32, #tpu.memory_space<vmem>> -> memref<56x1024xf32, #tpu.memory_space<vmem>>
      %dma_start3A_261 = tpu.memref_slice %arg5[%add3A_218] : memref<1024xi32, #tpu.memory_space<vmem>> -> memref<56xi32, #tpu.memory_space<vmem>>
      %dma_start3A_262 = arith.constant 0 : i32
      %dma_start3A_263 = arith.constant 0 : i32
      %dma_start3A_264 = tpu.memref_slice %arg3[%dma_start3A_262, %dma_start3A_263] : memref<8192x1024xf32, #tpu.memory_space<hbm>> -> memref<8192x1024xf32, #tpu.memory_space<hbm>>
      tpu.enqueue_indirect_dma source(%dma_start3A_264 : memref<8192x1024xf32, #tpu.memory_space<hbm>>) target(%dma_start3A_260 : memref<56x1024xf32, #tpu.memory_space<vmem>>) offsets(%dma_start3A_261 : memref<56xi32, #tpu.memory_space<vmem>>) semaphore(%arg7 : memref<!tpu.dma_semaphore, #tpu.memory_space<semaphore_mem>>)
    }
    %scan3A_26 = arith.constant 8 : i32
    %dma_wait3A = arith.constant 0 : i32
    %dma_wait3A_27 = arith.constant 0 : i32
    %dma_wait3A_28 = arith.constant 0 : i32
    %dma_wait3A_29 = tpu.memref_slice %arg6[%dma_wait3A, %dma_wait3A_27, %dma_wait3A_28] : memref<2x56x1024xf32, #tpu.memory_space<vmem>> -> memref<1x56x1024xf32, #tpu.memory_space<vmem>>
    %dma_wait3A_30 = tpu.memref_squeeze %dma_wait3A_29 : memref<1x56x1024xf32, #tpu.memory_space<vmem>> -> memref<56x1024xf32, #tpu.memory_space<vmem>>
    %dma_wait3A_31 = arith.constant 896 : i32
    %dma_wait3A_32 = tpu.memref_slice %arg5[%dma_wait3A_31] : memref<1024xi32, #tpu.memory_space<vmem>> -> memref<56xi32, #tpu.memory_space<vmem>>
    %dma_wait3A_33 = arith.constant 0 : i32
    %dma_wait3A_34 = arith.constant 0 : i32
    %dma_wait3A_35 = tpu.memref_slice %arg3[%dma_wait3A_33, %dma_wait3A_34] : memref<8192x1024xf32, #tpu.memory_space<hbm>> -> memref<8192x1024xf32, #tpu.memory_space<hbm>>
    tpu.wait_indirect_dma semaphore(%arg7 : memref<!tpu.dma_semaphore, #tpu.memory_space<semaphore_mem>>) src(%dma_wait3A_35 : memref<8192x1024xf32, #tpu.memory_space<hbm>>) dst(%dma_wait3A_30 : memref<56x1024xf32, #tpu.memory_space<vmem>>)
    %add3A_36 = arith.constant 896 : i32
    %add3A_37 = arith.addi %mul3A_2, %add3A_36 : i32
    %dma_start3A_38 = arith.constant 0 : i32
    %dma_start3A_39 = arith.constant 0 : i32
    %dma_start3A_40 = arith.constant 0 : i32
    %dma_start3A_41 = tpu.memref_slice %arg6[%dma_start3A_38, %dma_start3A_39, %dma_start3A_40] : memref<2x56x1024xf32, #tpu.memory_space<vmem>> -> memref<1x56x1024xf32, #tpu.memory_space<vmem>>
    %dma_start3A_42 = tpu.memref_squeeze %dma_start3A_41 : memref<1x56x1024xf32, #tpu.memory_space<vmem>> -> memref<56x1024xf32, #tpu.memory_space<vmem>>
    %dma_start3A_43 = arith.constant 0 : i32
    %dma_start3A_44 = tpu.memref_slice %arg4[%add3A_37, %dma_start3A_43] : memref<32768x1024xf32, #tpu.memory_space<hbm>> -> memref<56x1024xf32, #tpu.memory_space<hbm>>
    %dma_start3A_45 = arith.constant 0 : i32
    %dma_start3A_46 = tpu.memref_slice %arg4[%add3A_37, %dma_start3A_45] : memref<32768x1024xf32, #tpu.memory_space<hbm>> -> memref<56x1024xf32, #tpu.memory_space<hbm>>
    %dma_start3A_47 = arith.constant 0 : i32
    %dma_start3A_48 = arith.constant 0 : i32
    %dma_start3A_49 = tpu.memref_slice %arg6[%dma_start3A_38, %dma_start3A_47, %dma_start3A_48] : memref<2x56x1024xf32, #tpu.memory_space<vmem>> -> memref<1x56x1024xf32, #tpu.memory_space<vmem>>
    %dma_start3A_50 = tpu.memref_squeeze %dma_start3A_49 : memref<1x56x1024xf32, #tpu.memory_space<vmem>> -> memref<56x1024xf32, #tpu.memory_space<vmem>>
    tpu.enqueue_dma source(%dma_start3A_50 : memref<56x1024xf32, #tpu.memory_space<vmem>>) target(%dma_start3A_46 : memref<56x1024xf32, #tpu.memory_space<hbm>>) target_semaphore(%arg8 : memref<!tpu.dma_semaphore, #tpu.memory_space<semaphore_mem>>)
    %add3A_51 = arith.constant 896 : i32
    %add3A_52 = arith.addi %mul3A_2, %add3A_51 : i32
    %dma_wait3A_53 = arith.constant 0 : i32
    %dma_wait3A_54 = arith.constant 0 : i32
    %dma_wait3A_55 = arith.constant 0 : i32
    %dma_wait3A_56 = tpu.memref_slice %arg6[%dma_wait3A_53, %dma_wait3A_54, %dma_wait3A_55] : memref<2x56x1024xf32, #tpu.memory_space<vmem>> -> memref<1x56x1024xf32, #tpu.memory_space<vmem>>
    %dma_wait3A_57 = tpu.memref_squeeze %dma_wait3A_56 : memref<1x56x1024xf32, #tpu.memory_space<vmem>> -> memref<56x1024xf32, #tpu.memory_space<vmem>>
    %dma_wait3A_58 = arith.constant 0 : i32
    %dma_wait3A_59 = tpu.memref_slice %arg4[%add3A_52, %dma_wait3A_58] : memref<32768x1024xf32, #tpu.memory_space<hbm>> -> memref<56x1024xf32, #tpu.memory_space<hbm>>
    %dma_wait3A_60 = arith.constant 0 : i32
    %dma_wait3A_61 = tpu.memref_slice %arg4[%add3A_52, %dma_wait3A_60] : memref<32768x1024xf32, #tpu.memory_space<hbm>> -> memref<56x1024xf32, #tpu.memory_space<hbm>>
    %dma_wait3A_62 = arith.constant 0 : i32
    %dma_wait3A_63 = arith.constant 0 : i32
    %dma_wait3A_64 = tpu.memref_slice %arg6[%dma_wait3A_53, %dma_wait3A_62, %dma_wait3A_63] : memref<2x56x1024xf32, #tpu.memory_space<vmem>> -> memref<1x56x1024xf32, #tpu.memory_space<vmem>>
    %dma_wait3A_65 = tpu.memref_squeeze %dma_wait3A_64 : memref<1x56x1024xf32, #tpu.memory_space<vmem>> -> memref<56x1024xf32, #tpu.memory_space<vmem>>
    tpu.wait_dma2 semaphore(%arg8 : memref<!tpu.dma_semaphore, #tpu.memory_space<semaphore_mem>>) src(%dma_wait3A_65 : memref<56x1024xf32, #tpu.memory_space<vmem>>) dst(%dma_wait3A_61 : memref<56x1024xf32, #tpu.memory_space<hbm>>)
    %dma_start3A_66 = arith.constant 0 : i32
    %dma_start3A_67 = arith.constant 0 : i32
    %dma_start3A_68 = arith.constant 0 : i32
    %dma_start3A_69 = tpu.memref_slice %arg6[%dma_start3A_66, %dma_start3A_67, %dma_start3A_68] : memref<2x56x1024xf32, #tpu.memory_space<vmem>> -> memref<1x16x1024xf32, #tpu.memory_space<vmem>>
    %dma_start3A_70 = tpu.memref_squeeze %dma_start3A_69 : memref<1x16x1024xf32, #tpu.memory_space<vmem>> -> memref<16x1024xf32, #tpu.memory_space<vmem>>
    %dma_start3A_71 = arith.constant 1008 : i32
    %dma_start3A_72 = tpu.memref_slice %arg5[%dma_start3A_71] : memref<1024xi32, #tpu.memory_space<vmem>> -> memref<16xi32, #tpu.memory_space<vmem>>
    %dma_start3A_73 = arith.constant 0 : i32
    %dma_start3A_74 = arith.constant 0 : i32
    %dma_start3A_75 = tpu.memref_slice %arg3[%dma_start3A_73, %dma_start3A_74] : memref<8192x1024xf32, #tpu.memory_space<hbm>> -> memref<8192x1024xf32, #tpu.memory_space<hbm>>
    tpu.enqueue_indirect_dma source(%dma_start3A_75 : memref<8192x1024xf32, #tpu.memory_space<hbm>>) target(%dma_start3A_70 : memref<16x1024xf32, #tpu.memory_space<vmem>>) offsets(%dma_start3A_72 : memref<16xi32, #tpu.memory_space<vmem>>) semaphore(%arg7 : memref<!tpu.dma_semaphore, #tpu.memory_space<semaphore_mem>>)
    %dma_wait3A_76 = arith.constant 1 : i32
    %dma_wait3A_77 = arith.constant 0 : i32
    %dma_wait3A_78 = arith.constant 0 : i32
    %dma_wait3A_79 = tpu.memref_slice %arg6[%dma_wait3A_76, %dma_wait3A_77, %dma_wait3A_78] : memref<2x56x1024xf32, #tpu.memory_space<vmem>> -> memref<1x56x1024xf32, #tpu.memory_space<vmem>>
    %dma_wait3A_80 = tpu.memref_squeeze %dma_wait3A_79 : memref<1x56x1024xf32, #tpu.memory_space<vmem>> -> memref<56x1024xf32, #tpu.memory_space<vmem>>
    %dma_wait3A_81 = arith.constant 952 : i32
    %dma_wait3A_82 = tpu.memref_slice %arg5[%dma_wait3A_81] : memref<1024xi32, #tpu.memory_space<vmem>> -> memref<56xi32, #tpu.memory_space<vmem>>
    %dma_wait3A_83 = arith.constant 0 : i32
    %dma_wait3A_84 = arith.constant 0 : i32
    %dma_wait3A_85 = tpu.memref_slice %arg3[%dma_wait3A_83, %dma_wait3A_84] : memref<8192x1024xf32, #tpu.memory_space<hbm>> -> memref<8192x1024xf32, #tpu.memory_space<hbm>>
    tpu.wait_indirect_dma semaphore(%arg7 : memref<!tpu.dma_semaphore, #tpu.memory_space<semaphore_mem>>) src(%dma_wait3A_85 : memref<8192x1024xf32, #tpu.memory_space<hbm>>) dst(%dma_wait3A_80 : memref<56x1024xf32, #tpu.memory_space<vmem>>)
    %add3A_86 = arith.constant 952 : i32
    %add3A_87 = arith.addi %mul3A_2, %add3A_86 : i32
    %dma_start3A_88 = arith.constant 1 : i32
    %dma_start3A_89 = arith.constant 0 : i32
    %dma_start3A_90 = arith.constant 0 : i32
    %dma_start3A_91 = tpu.memref_slice %arg6[%dma_start3A_88, %dma_start3A_89, %dma_start3A_90] : memref<2x56x1024xf32, #tpu.memory_space<vmem>> -> memref<1x56x1024xf32, #tpu.memory_space<vmem>>
    %dma_start3A_92 = tpu.memref_squeeze %dma_start3A_91 : memref<1x56x1024xf32, #tpu.memory_space<vmem>> -> memref<56x1024xf32, #tpu.memory_space<vmem>>
    %dma_start3A_93 = arith.constant 0 : i32
    %dma_start3A_94 = tpu.memref_slice %arg4[%add3A_87, %dma_start3A_93] : memref<32768x1024xf32, #tpu.memory_space<hbm>> -> memref<56x1024xf32, #tpu.memory_space<hbm>>
    %dma_start3A_95 = arith.constant 0 : i32
    %dma_start3A_96 = tpu.memref_slice %arg4[%add3A_87, %dma_start3A_95] : memref<32768x1024xf32, #tpu.memory_space<hbm>> -> memref<56x1024xf32, #tpu.memory_space<hbm>>
    %dma_start3A_97 = arith.constant 0 : i32
    %dma_start3A_98 = arith.constant 0 : i32
    %dma_start3A_99 = tpu.memref_slice %arg6[%dma_start3A_88, %dma_start3A_97, %dma_start3A_98] : memref<2x56x1024xf32, #tpu.memory_space<vmem>> -> memref<1x56x1024xf32, #tpu.memory_space<vmem>>
    %dma_start3A_100 = tpu.memref_squeeze %dma_start3A_99 : memref<1x56x1024xf32, #tpu.memory_space<vmem>> -> memref<56x1024xf32, #tpu.memory_space<vmem>>
    tpu.enqueue_dma source(%dma_start3A_100 : memref<56x1024xf32, #tpu.memory_space<vmem>>) target(%dma_start3A_96 : memref<56x1024xf32, #tpu.memory_space<hbm>>) target_semaphore(%arg8 : memref<!tpu.dma_semaphore, #tpu.memory_space<semaphore_mem>>)
    %add3A_101 = arith.constant 952 : i32
    %add3A_102 = arith.addi %mul3A_2, %add3A_101 : i32
    %dma_wait3A_103 = arith.constant 1 : i32
    %dma_wait3A_104 = arith.constant 0 : i32
    %dma_wait3A_105 = arith.constant 0 : i32
    %dma_wait3A_106 = tpu.memref_slice %arg6[%dma_wait3A_103, %dma_wait3A_104, %dma_wait3A_105] : memref<2x56x1024xf32, #tpu.memory_space<vmem>> -> memref<1x56x1024xf32, #tpu.memory_space<vmem>>
    %dma_wait3A_107 = tpu.memref_squeeze %dma_wait3A_106 : memref<1x56x1024xf32, #tpu.memory_space<vmem>> -> memref<56x1024xf32, #tpu.memory_space<vmem>>
    %dma_wait3A_108 = arith.constant 0 : i32
    %dma_wait3A_109 = tpu.memref_slice %arg4[%add3A_102, %dma_wait3A_108] : memref<32768x1024xf32, #tpu.memory_space<hbm>> -> memref<56x1024xf32, #tpu.memory_space<hbm>>
    %dma_wait3A_110 = arith.constant 0 : i32
    %dma_wait3A_111 = tpu.memref_slice %arg4[%add3A_102, %dma_wait3A_110] : memref<32768x1024xf32, #tpu.memory_space<hbm>> -> memref<56x1024xf32, #tpu.memory_space<hbm>>
    %dma_wait3A_112 = arith.constant 0 : i32
    %dma_wait3A_113 = arith.constant 0 : i32
    %dma_wait3A_114 = tpu.memref_slice %arg6[%dma_wait3A_103, %dma_wait3A_112, %dma_wait3A_113] : memref<2x56x1024xf32, #tpu.memory_space<vmem>> -> memref<1x56x1024xf32, #tpu.memory_space<vmem>>
    %dma_wait3A_115 = tpu.memref_squeeze %dma_wait3A_114 : memref<1x56x1024xf32, #tpu.memory_space<vmem>> -> memref<56x1024xf32, #tpu.memory_space<vmem>>
    tpu.wait_dma2 semaphore(%arg8 : memref<!tpu.dma_semaphore, #tpu.memory_space<semaphore_mem>>) src(%dma_wait3A_115 : memref<56x1024xf32, #tpu.memory_space<vmem>>) dst(%dma_wait3A_111 : memref<56x1024xf32, #tpu.memory_space<hbm>>)
    %dma_wait3A_116 = arith.constant 0 : i32
    %dma_wait3A_117 = arith.constant 0 : i32
    %dma_wait3A_118 = arith.constant 0 : i32
    %dma_wait3A_119 = tpu.memref_slice %arg6[%dma_wait3A_116, %dma_wait3A_117, %dma_wait3A_118] : memref<2x56x1024xf32, #tpu.memory_space<vmem>> -> memref<1x16x1024xf32, #tpu.memory_space<vmem>>
    %dma_wait3A_120 = tpu.memref_squeeze %dma_wait3A_119 : memref<1x16x1024xf32, #tpu.memory_space<vmem>> -> memref<16x1024xf32, #tpu.memory_space<vmem>>
    %dma_wait3A_121 = arith.constant 1008 : i32
    %dma_wait3A_122 = tpu.memref_slice %arg5[%dma_wait3A_121] : memref<1024xi32, #tpu.memory_space<vmem>> -> memref<16xi32, #tpu.memory_space<vmem>>
    %dma_wait3A_123 = arith.constant 0 : i32
    %dma_wait3A_124 = arith.constant 0 : i32
    %dma_wait3A_125 = tpu.memref_slice %arg3[%dma_wait3A_123, %dma_wait3A_124] : memref<8192x1024xf32, #tpu.memory_space<hbm>> -> memref<8192x1024xf32, #tpu.memory_space<hbm>>
    tpu.wait_indirect_dma semaphore(%arg7 : memref<!tpu.dma_semaphore, #tpu.memory_space<semaphore_mem>>) src(%dma_wait3A_125 : memref<8192x1024xf32, #tpu.memory_space<hbm>>) dst(%dma_wait3A_120 : memref<16x1024xf32, #tpu.memory_space<vmem>>)
    %add3A_126 = arith.constant 1008 : i32
    %add3A_127 = arith.addi %mul3A_2, %add3A_126 : i32
    %dma_start3A_128 = arith.constant 0 : i32
    %dma_start3A_129 = arith.constant 0 : i32
    %dma_start3A_130 = arith.constant 0 : i32
    %dma_start3A_131 = tpu.memref_slice %arg6[%dma_start3A_128, %dma_start3A_129, %dma_start3A_130] : memref<2x56x1024xf32, #tpu.memory_space<vmem>> -> memref<1x16x1024xf32, #tpu.memory_space<vmem>>
    %dma_start3A_132 = tpu.memref_squeeze %dma_start3A_131 : memref<1x16x1024xf32, #tpu.memory_space<vmem>> -> memref<16x1024xf32, #tpu.memory_space<vmem>>
    %dma_start3A_133 = arith.constant 0 : i32
    %dma_start3A_134 = tpu.memref_slice %arg4[%add3A_127, %dma_start3A_133] : memref<32768x1024xf32, #tpu.memory_space<hbm>> -> memref<16x1024xf32, #tpu.memory_space<hbm>>
    %dma_start3A_135 = arith.constant 0 : i32
    %dma_start3A_136 = tpu.memref_slice %arg4[%add3A_127, %dma_start3A_135] : memref<32768x1024xf32, #tpu.memory_space<hbm>> -> memref<16x1024xf32, #tpu.memory_space<hbm>>
    %dma_start3A_137 = arith.constant 0 : i32
    %dma_start3A_138 = arith.constant 0 : i32
    %dma_start3A_139 = tpu.memref_slice %arg6[%dma_start3A_128, %dma_start3A_137, %dma_start3A_138] : memref<2x56x1024xf32, #tpu.memory_space<vmem>> -> memref<1x16x1024xf32, #tpu.memory_space<vmem>>
    %dma_start3A_140 = tpu.memref_squeeze %dma_start3A_139 : memref<1x16x1024xf32, #tpu.memory_space<vmem>> -> memref<16x1024xf32, #tpu.memory_space<vmem>>
    tpu.enqueue_dma source(%dma_start3A_140 : memref<16x1024xf32, #tpu.memory_space<vmem>>) target(%dma_start3A_136 : memref<16x1024xf32, #tpu.memory_space<hbm>>) target_semaphore(%arg8 : memref<!tpu.dma_semaphore, #tpu.memory_space<semaphore_mem>>)
    %add3A_141 = arith.constant 1008 : i32
    %add3A_142 = arith.addi %mul3A_2, %add3A_141 : i32
    %dma_wait3A_143 = arith.constant 0 : i32
    %dma_wait3A_144 = arith.constant 0 : i32
    %dma_wait3A_145 = arith.constant 0 : i32
    %dma_wait3A_146 = tpu.memref_slice %arg6[%dma_wait3A_143, %dma_wait3A_144, %dma_wait3A_145] : memref<2x56x1024xf32, #tpu.memory_space<vmem>> -> memref<1x16x1024xf32, #tpu.memory_space<vmem>>
    %dma_wait3A_147 = tpu.memref_squeeze %dma_wait3A_146 : memref<1x16x1024xf32, #tpu.memory_space<vmem>> -> memref<16x1024xf32, #tpu.memory_space<vmem>>
    %dma_wait3A_148 = arith.constant 0 : i32
    %dma_wait3A_149 = tpu.memref_slice %arg4[%add3A_142, %dma_wait3A_148] : memref<32768x1024xf32, #tpu.memory_space<hbm>> -> memref<16x1024xf32, #tpu.memory_space<hbm>>
    %dma_wait3A_150 = arith.constant 0 : i32
    %dma_wait3A_151 = tpu.memref_slice %arg4[%add3A_142, %dma_wait3A_150] : memref<32768x1024xf32, #tpu.memory_space<hbm>> -> memref<16x1024xf32, #tpu.memory_space<hbm>>
    %dma_wait3A_152 = arith.constant 0 : i32
    %dma_wait3A_153 = arith.constant 0 : i32
    %dma_wait3A_154 = tpu.memref_slice %arg6[%dma_wait3A_143, %dma_wait3A_152, %dma_wait3A_153] : memref<2x56x1024xf32, #tpu.memory_space<vmem>> -> memref<1x16x1024xf32, #tpu.memory_space<vmem>>
    %dma_wait3A_155 = tpu.memref_squeeze %dma_wait3A_154 : memref<1x16x1024xf32, #tpu.memory_space<vmem>> -> memref<16x1024xf32, #tpu.memory_space<vmem>>
    tpu.wait_dma2 semaphore(%arg8 : memref<!tpu.dma_semaphore, #tpu.memory_space<semaphore_mem>>) src(%dma_wait3A_155 : memref<16x1024xf32, #tpu.memory_space<vmem>>) dst(%dma_wait3A_151 : memref<16x1024xf32, #tpu.memory_space<hbm>>)
    return
  }
}

</mosaic_0001>

<sc_bundles>
// kernel: kernel.3.cloned.1.call-start
scs
__scs_entry_jumppad:
0x0: {  	(pc) =	sbr.rel $0x88, $3  }
0x1: {  	(tag) =	ssettag $0x0;
	lr =	simm.s32 $0x1  }
0x2: {  	[smem:$0x3F9F] =	sst lr;
	_ =	strace $0xD0000000  }
0x3: {  	_ = 	snop  }
0x4: {  	_ = 	snop  }
0x5: {  	_ = 	snop  }
0x6: {  	_ = 	snop  }
0x7: {  	_ = 	snop  }
__scs_overlays_trampoline_lowered:
0x8: {  	[smem:$0x3FAE] =	sst s0  }
0x9: {  	[smem:$0x3FAF] =	sst s1  }
0xa: {  	[smem:$0x3FB0] =	sst s2  }
0xb: {  	[smem:$0x3FB1] =	sst s3  }
0xc: {  	[smem:$0x3FB2] =	sst s4  }
0xd: {  	[smem:$0x3FB3] =	sst s5  }
0xe: {  	[smem:$0x3FB4] =	sst s6  }
0xf: {  	[smem:$0x3FB5] =	sst s7  }
0x10: {  	[smem:$0x3FB6] =	sst s8  }
0x11: {  	[smem:$0x3FB7] =	sst s9;
	s0 =	simm.s32 @!p0 $0x0  }
0x12: {  	s1 =	sld [smem:$0x3F9D];
	s0 =	simm.s32 @p0 $0x1  }
0x13: {  	[smem:$0x3FB8] =	sst s0;
	s0 =	simm.s32 @!p1 $0x0  }
0x14: {  	s2 =	sld [smem:$0x3F9C];
	s0 =	simm.s32 @p1 $0x1  }
0x15: {  	[smem:$0x3FB9] =	sst s0;
	s0 =	simm.s32 @!p2 $0x0  }
0x16: {  	s3 =	sld [smem:$0x3FDB];
	s0 =	simm.s32 @p2 $0x1  }
0x17: {  	s4 =	simm.s32 $0x1BF5;
	[smem:$0x3FBB] =	sst s0  }
0x18: {  	s0 =	sld [smem:$0x3F9E];
	_ =	swait.ge [sflag:s4], $0x0  }
0x19: {  	s7 =	sld [smem:$0x3F9F]  }
0x1a: {  	s8 =	sadd.s32 $0xFFFFE003, lr  }
0x1b: {  	s9 =	sadd.s32 $0xFFFFFEF7, lr;
	s5 =	simm.s32 $0xFFFFFFFF;
	p2 =	slt.u32 s8, $0xFFFFF086  }
0x1c: {  	p1 =	slt.u32 s9, $0xF7A;
	s5 =	simm.s32 @!p2 $0x0  }
0x1d: {  	s5 =	simm.s32 @p1 $0x1;
	p0 =	seq.s32 s7, s2  }
0x1e: {  	s7 =	smul.u32 @!p0 $0xF7A, s2;
	p2 =	seq.s32 @!p0 s5, $0x0  }
0x1f: {  	s9 =	smul.u32 $0xF7A, s1;
	s8 =	simm.s32 @!p0 $0x1BF5;
	p2 =	por !p2, p0  }
0x20: {  	[sflag:s8] =	ssyncset.s32 @!p0 $0xFFFFF086;
	s6 =	sadd.s32 @!p0 s3, s7;
	s7 =	simm.s32 @!p0 $0x108  }
0x21: {  	s3 =	sadd.s32 s3, s9;
	s6 =	sadd.s32 @!p0 $0x88, s6;
	s7 =	simm.s32 @p2 $0x1082  }
0x22: {  	[simem:s7], [sflag:s8] =	dma.local @!p0 [hbm:s6], $0xF7A  }
0x23: {  	s9 =	sor.u32 $0xD0000000, s2;
	s6 =	simm.s32 $0x108;
	_ =	swait.ge @!p0 [sflag:s8], $0x0  }
0x24: {  	s3 =	sadd.s32 $0x88, s3;
	s6 =	simm.s32 @!p1 $0x1082;
	[sflag:s4] =	ssyncset.s32 $0xFFFFF086  }
0x25: {  	[simem:s6], [sflag:s4] =	dma.local [hbm:s3], $0xF7A  }
0x26: {  	[smem:$0x3F9F] =	sst s1;
	(tag) =	ssettag s2;
	_ =	strace s9  }
0x27: {  	s1 =	sld [smem:$0x3FAF]  }
0x28: {  	s2 =	sld [smem:$0x3FB0]  }
0x29: {  	s4 =	sld [smem:$0x3FB2]  }
0x2a: {  	p0 =	seq.s32 s5, $0x0;
	s5 =	sld [smem:$0x3FB3]  }
0x2b: {  	s6 =	sld [smem:$0x3FB4]  }
0x2c: {  	s7 =	sld [smem:$0x3FB5]  }
0x2d: {  	s3 =	simm.s32 $0x108;
	s8 =	sld [smem:$0x3FB6]  }
0x2e: {  	s3 =	simm.s32 @!p0 $0x1082;
	s9 =	sld [smem:$0x3FB7]  }
0x2f: {  	lr =	sadd.s32 s0, s3;
	s0 =	sld [smem:$0x3FAE]  }
0x30: {  	s3 =	sld [smem:$0x3FB1]  }
0x31: {  	[smem:$0x3FBA] =	sst s10  }
0x32: {  	s10 =	sld [smem:$0x3FB8];
	_ =	sdelay $0x3  }
0x33: {  	p0 =	seq.s32 s10, $0x1;
	s10 =	sld [smem:$0x3FBA];
	_ =	sdelay $0x3  }
0x34: {  	[smem:$0x3FBA] =	sst s10  }
0x35: {  	s10 =	sld [smem:$0x3FB9];
	_ =	sdelay $0x3  }
0x36: {  	p1 =	seq.s32 s10, $0x1;
	s10 =	sld [smem:$0x3FBA];
	_ =	sdelay $0x3  }
0x37: {  	[smem:$0x3FBA] =	sst s10  }
0x38: {  	s10 =	sld [smem:$0x3FBB]  }
0x39: {  	_ = 	snop;
	(pc) =	sbr.ind lr, $3  }
0x3a: {  	_ = 	snop  }
0x3b: {  	_ = 	snop  }
0x3c: {  	p2 =	seq.s32 s10, $0x1;
	s10 =	sld [smem:$0x3FBA]  }
0x3d: {  	_ =	shalt  }
0x3e: {  	_ =	shalt  }
0x3f: {  	_ =	shalt  }
0x40: {  	_ =	shalt  }
0x41: {  	_ =	shalt  }
0x42: {  	_ =	shalt  }
0x43: {  	_ =	shalt  }
0x44: {  	_ =	shalt  }
0x45: {  	_ =	shalt  }
0x46: {  	_ =	shalt  }
0x47: {  	_ =	shalt  }
0x48: {  	_ =	shalt  }
0x49: {  	_ =	shalt  }
0x4a: {  	_ =	shalt  }
0x4b: {  	_ =	shalt  }
0x4c: {  	_ =	shalt  }
0x4d: {  	_ =	shalt  }
0x4e: {  	_ =	shalt  }
0x4f: {  	_ =	shalt  }
0x50: {  	_ =	shalt  }
0x51: {  	_ =	shalt  }
0x52: {  	_ =	shalt  }
0x53: {  	_ =	shalt  }
0x54: {  	_ =	shalt  }
0x55: {  	_ =	shalt  }
0x56: {  	_ =	shalt  }
0x57: {  	_ =	shalt  }
0x58: {  	_ =	shalt  }
0x59: {  	_ =	shalt  }
0x5a: {  	_ =	shalt  }
0x5b: {  	_ =	shalt  }
0x5c: {  	_ =	shalt  }
0x5d: {  	_ =	shalt  }
0x5e: {  	_ =	shalt  }
0x5f: {  	_ =	shalt  }
0x60: {  	_ =	shalt  }
0x61: {  	_ =	shalt  }
0x62: {  	_ =	shalt  }
0x63: {  	_ =	shalt  }
0x64: {  	_ =	shalt  }
0x65: {  	_ =	shalt  }
0x66: {  	_ =	shalt  }
0x67: {  	_ =	shalt  }
0x68: {  	_ =	shalt  }
0x69: {  	_ =	shalt  }
0x6a: {  	_ =	shalt  }
0x6b: {  	_ =	shalt  }
0x6c: {  	_ =	shalt  }
0x6d: {  	_ =	shalt  }
0x6e: {  	_ =	shalt  }
0x6f: {  	_ =	shalt  }
0x70: {  	_ =	shalt  }
0x71: {  	_ =	shalt  }
0x72: {  	_ =	shalt  }
0x73: {  	_ =	shalt  }
0x74: {  	_ =	shalt  }
0x75: {  	_ =	shalt  }
0x76: {  	_ =	shalt  }
0x77: {  	_ =	shalt  }
0x78: {  	_ =	shalt  }
0x79: {  	_ =	shalt  }
0x7a: {  	_ =	shalt  }
0x7b: {  	_ =	shalt  }
0x7c: {  	_ =	shalt  }
0x7d: {  	_ =	shalt  }
0x7e: {  	_ =	shalt  }
0x7f: {  	_ =	shalt  }
0x80: {  	_ =	shalt  }
0x81: {  	_ =	shalt  }
0x82: {  	_ =	shalt  }
0x83: {  	_ =	shalt  }
0x84: {  	_ =	shalt  }
0x85: {  	_ =	shalt  }
0x86: {  	_ =	shalt  }
0x87: {  	_ =	shalt  }
.Lfunc_end0:
.L_simem_size_0:
called_computation_lowered:
.L_overlay_start_0:
0x88: {  	s2 =	sld [smem:$0x3FD9]  }
0x89: {  	s3 =	sld [smem:$0x3FFE];
	_ =	sdelay $0x1  }
0x8a: {  	s1 =	srdreg.scid  }
0x8b: {  	s0 =	sand.u32 $0x1, s1  }
0x8c: {  	s17 =	sshll.u32 s0, $0xA;
	s2 =	sadd.s32 s3, s2  }
0x8d: {  	s2 =	sadd.s32 s2, s17  }
0x8e: {  	[smem:$0x3FC6] =	sst s2  }
0x8f: {  	_ = 	snop  }
0x90: {  	s2 =	sld [smem:$0x3FC8]  }
0x91: {  	s18 =	sld [smem:$0x3FD0];
	(tm) =	ssettm $0x1  }
0x92: {  	s4 =	sld [smem:$0x3FFB];
	_ =	sdelay $0x3  }
0x93: {  	_ =	strace s4  }
0x94: {  	s4 =	sld [smem:$0x3FFC];
	_ =	sdelay $0x3  }
0x95: {  	_ =	strace s4  }
0x96: {  	s4 =	sld [smem:$0x3FFD];
	_ =	sdelay $0x3  }
0x97: {  	_ =	strace s4  }
0x98: {  	_ =	strace $0x8FFFFFFF  }
0x99: {  	s19 =	sld [smem:$0x3FDB];
	_ =	sdelay $0x1  }
0x9a: {  	s5 =	simm.s32 $_scs_section_size  }
0x9b: {  	s6 =	simm.s32 $_size__tile_overlayer_lowered;
	s7 =	simm.s32 $_tile_overlayer_lowered  }
0x9c: {  	s22 =	simm.s32 $0x1BFF;
	s21 =	sshll.u32 s7, $0x1;
	s4 =	sadd.s32 s5, s19  }
0x9d: {  	s8 =	simm.s32 $0x0;
	s20 =	sshll.u32 s6, $0x1;
	s6 =	sadd.s32 s21, s4  }
0x9e: {  	[timem:s8], [sflag:s22] =	dma.local [hbm:s6], s20  }
0x9f: {  	_ =	swait.ge [sflag:s22], s20  }
0xa0: {  	s5 =	ssub.s32 $0x0, s20;
	[sflag:s22] =	ssyncset.done $0x0  }
0xa1: {  	[sflag:s22] =	ssyncadd.s32 s5;
	_ =	sdelay $0x1  }
0xa2: {  	s23 =	simm.s32 $0x1B8B  }
0xa3: {  	_ =	swait.ge [sflag:s23], $0x1  }
0xa4: {  	[sflag:s23] =	ssyncset.done $0x0  }
0xa5: {  	s25 =	simm.s32 $0x1B8E;
	s24 =	sld [smem:$0x3FFE];
	[sflag:s23] =	ssyncadd.s32 $0xFFFFFFFF  }
0xa6: {  	s26 =	simm.s32 $execute0_lowered;
	[smem:$0x3FD2] =	sst s25  }
0xa7: {  	s6 =	sshll.u32 s26, $0x1;
	_ =	strace $0x80000046;
	[dreg:$0x1] =	wrdreg $0xFFFFFFFF  }
0xa8: {  	s28 =	simm.s32 $_size_execute0_lowered;
	s4 =	sadd.s32 s4, s6;
	[dreg:$0x0] =	wrdreg $0x0  }
0xa9: {  	s6 =	sshll.u32 s28, $0x1;
	[dreg:$0x2] =	wrdreg s4  }
0xaa: {  	[dreg:$0x3] =	wrdreg s6  }
0xab: {  	[dreg:$0x4] =	wrdreg $0xC0  }
0xac: {  	_ =	task [dreg:s8], $0x5FFFF  }
0xad: {  	[dreg:$0x1] =	wrdreg $0xFFFFFFFF  }
0xae: {  	[dreg:$0x0] =	wrdreg $0x60  }
0xaf: {  	[dreg:$0x2] =	wrdreg s24  }
0xb0: {  	[dreg:$0x3] =	wrdreg s2  }
0xb1: {  	[dreg:$0x4] =	wrdreg s18  }
0xb2: {  	[dreg:$0x5] =	wrdreg $0x9  }
0xb3: {  	_ =	task.clear_ibuf [dreg:s8], $0x6FFFF;
	_ =	strace $0x90000046  }
0xb4: {  	s29 =	simm.s32 $0x9;
	_ =	strace $0x80000048  }
0xb5: {  	_ =	swait.ge [sflag:s29], $0x1  }
0xb6: {  	[sflag:s29] =	ssyncadd.s32 $0xFFFFFFFF  }
0xb7: {  	_ =	strace $0x90000048  }
0xb8: {  	_ =	sfence  }
0xb9: {  	s30 =	sld [smem:$0x0];
	_ =	sdelay $0x2  }
0xba: {  	s31 =	sshll.u32 s1, $0xD;
	s1 =	sshrl.u32 s1, $0x2  }
0xbb: {  	s3 =	sand.u32 $0x4000, s31;
	s1 =	sadd.s32 s1, s30  }
0xbc: {  	s0 =	sor.u32 s3, s0;
	s1 =	sshll.u32 s1, $0x11  }
0xbd: {  	s0 =	sor.u32 s1, s0  }
0xbe: {  	s0 =	sadd.s32 $0x8F2B, s0  }
0xbf: {  	[sflag:s0] =	ssyncadd.remote.s32 $0x1  }
0xc0: {  	_ =	sfence.sel $0xFFFF  }
0xc1: {  	[dreg:$0x0] =	wrdreg $0xFFFFFFFF;
	(pc) =	sbr.abs _section_cstart, $3  }
0xc2: {  	[dreg:$0x1] =	wrdreg $0xFFFFFFFF  }
0xc3: {  	_ =	task.clear_ibuf [dreg:s8], $0x2FFFF;
	_ =	strace $0x9FFFFFFF  }
0xc4: {  	(tm) =	ssettm $0x7FFFFFFF  }
0xc5: {  	_ =	shalt  }
tec
execute0_lowered:
.L_overlay_start_1:
0x0: {  	(tag) =	ssettag $0x1  }
0x1: {  	s0 =	srdreg.scid;
	s4 =	rddreg [dreg:$0x0]  }
0x2: {  	s10 =	stileid.u32;
	s2 =	rddreg [dreg:$0x1]  }
0x3: {  	s8 =	rddreg [dreg:$0x2];
	s18 =	simm.s32 $0x4400;
	s19 =	simm.s32 $0x5400  }
0x4: {  	s20 =	simm.s32 $0x6400;
	s21 =	simm.s32 $0x7400;
	s12 =	simm.s32 $0x7C00  }
0x5: {  	s11 =	simm.s32 $0xA400;
	s14 =	simm.s32 $0xAC00;
	s22 =	simm.s32 $0xB400  }
0x6: {  	s28 =	simm.s32 $0xD400;
	s13 =	simm.s32 $0xDC00;
	s30 =	simm.s32 $0xE400  }
0x7: {  	s15 =	simm.s32 $0x1;
	s29 =	simm.s32 $0x2;
	s17 =	simm.s32 $0x0  }
0x8: {  	s0 =	sand.u32 $0x1, s0;
	s1 =	sshll.u32 s10, $0x1;
	s3 =	sshll.u32 s10, $0xB  }
0x9: {  	s7 =	sadd.s32 $0x300, s2;
	s24 =	sshll.u32 s10, $0x12;
	s10 =	simm.s32 $0x9C00  }
0xa: {  	s1 =	sor.u32 s0, s1;
	s6 =	ssub.s32 $0x2, s0;
	s0 =	sshll.u32 s0, $0x11  }
0xb: {  	s5 =	sshll.u32 s1, $0x7;
	s23 =	sshrl.u32 s6, $0x1;
	s1 =	sshll.u32 s1, $0x11  }
0xc: {  	s3 =	sor.u32 s5, s3;
	s9 =	ssub.s32 s6, s23;
	s6 =	sadd.s32 $0x200, s2  }
0xd: {  	s1 =	sadd.s32 s1, s8;
	s5 =	sand.u32 $0x6380, s3;
	s3 =	simm.s32 $0x0  }
0xe: {  	s23 =	simm.s32 $0xBC00;
	s25 =	sadd.s32 $0x1C000, s1;
	[smem:$0x7FF] =	sst s3  }
0xf: {  	s26 =	sadd.s32 $0x1DC00, s1;
	_ =	strace $0x80000047;
	[dreg:$0x6] =	wrdreg s25  }
0x10: {  	s1 =	sadd.s32 $0x1F800, s1;
	s31 =	smax.u32 s9, $0x1;
	[dreg:$0x7] =	wrdreg s26  }
0x11: {  	s9 =	simm.s32 $0x9400;
	s5 =	sshrl.u32 s5, $0x3;
	[dreg:$0x8] =	wrdreg s1  }
0x12: {  	s4 =	sadd.s32 s5, s4;
	s5 =	sadd.s32 $0x100, s2;
	[dreg:$0x9] =	wrdreg s31  }
0x13: {  	s1 =	simm.s32 $0x5C00;
	s25 =	simm.s32 $0xC400;
	s4 =	sadd.s32 $0x400, s4  }
0x14: {  	v2 =	vlaneseq.u32;
	s26 =	simm.s32 $0xCC00;
	[dreg:$0x5] =	wrdreg s4;
	s4 =	sadd.s32 s24, s8  }
0x15: {  	vm0 =	vmmov $0xffff;
	v1 =	vshrl.u32 v2, $0x3;
	s24 =	simm.s32 $0x4C00;
	s8 =	simm.s32 $0x8C00;
	s0 =	sadd.s32 s0, s4  }
0x16: {  	v0 =	vand.u32 $0x7, v2;
	v2 =	vor.u32 $0x8, v2;
	v1 =	vmul.u32 $0x8, v1;
	s4 =	simm.s32 $0x8400;
	[dreg:$0x4] =	wrdreg s0;
	s0 =	simm.s32 $0x6C00  }
.LBB2_1:
0x17: {  	[dreg:$0xa] =	wrdreg s17  }
0x18: {  	s16 =	rddreg [dreg:$0x5];
	s17 =	simm.s32 $0x80;
	s31 =	simm.s32 $0x400  }
0x19: {  	[tilespmem:s3], [sflag:$0x3] =	stream.strided.gather [hbm4b:s16+s17], $0x400, s31, s17, $0x38;
	[tilespmem:$0x1C400] =	vst v63  }
0x1a: {  	s17 =	simm.s32 $0x3  }
0x1b: {  	_ =	swait.ge [sflag:s17], $0x400  }
0x1c: {  	[sflag:s17] =	ssyncset.done $0x0  }
0x1d: {  	[sflag:s17] =	ssyncadd.s32 $0xFFFFFC00  }
0x1e: {  	v3 =	vld [tilespmem:$0x0];
	_ =	sdelay $0x4  }
0x1f: {  	v4 =	vshll.u32 v3, $0x3  }
0x20: {  	v3 =	vand.u32 $0x7, v3;
	v4 =	vand.u32 $0xFFFFFFC0, v4  }
0x21: {  	v3 =	vor.u32 v3, v4  }
0x22: {  	v4 =	vperm.xlane v3, v0;
	_ =	sdelay $0x1  }
0x23: {  	v4 =	vadd.s32 v1, v4;
	_ =	sdelay $0x4  }
0x24: {  	[tilespmem:s31], [sflag:$0x1] =	stream.indirect_vreg.gather [hbm4b:s2+s3], $0x80, v4, vm0, $0xb8;
	[tilespmem:$0x1C400] =	vst v63  }
0x25: {  	s17 =	simm.s32 $0xC00;
	v3 =	vperm.xlane v3, v2  }
0x26: {  	[tilespmem:s17], [sflag:$0x1] =	stream.indirect_vreg.gather [hbm4b:s5+s3], $0x80, v4, vm0, $0xb8;
	[tilespmem:$0x1C400] =	vst v63  }
0x27: {  	v3 =	vadd.s32 v1, v3;
	s17 =	simm.s32 $0x1400  }
0x28: {  	[tilespmem:s17], [sflag:$0x1] =	stream.indirect_vreg.gather [hbm4b:s6+s3], $0x80, v4, vm0, $0xb8;
	[tilespmem:$0x1C400] =	vst v63  }
0x29: {  	s17 =	simm.s32 $0x1C00  }
0x2a: {  	[tilespmem:s17], [sflag:$0x1] =	stream.indirect_vreg.gather [hbm4b:s7+s3], $0x80, v4, vm0, $0xb8;
	[tilespmem:$0x1C400] =	vst v63  }
0x2b: {  	s17 =	simm.s32 $0x2400  }
0x2c: {  	[tilespmem:s17], [sflag:$0x1] =	stream.indirect_vreg.gather [hbm4b:s2+s3], $0x80, v3, vm0, $0xb8;
	[tilespmem:$0x1C400] =	vst v63  }
0x2d: {  	s17 =	simm.s32 $0x2C00  }
0x2e: {  	[tilespmem:s17], [sflag:$0x1] =	stream.indirect_vreg.gather [hbm4b:s5+s3], $0x80, v3, vm0, $0xb8;
	[tilespmem:$0x1C400] =	vst v63  }
0x2f: {  	s17 =	simm.s32 $0x3400  }
0x30: {  	[tilespmem:s17], [sflag:$0x1] =	stream.indirect_vreg.gather [hbm4b:s6+s3], $0x80, v3, vm0, $0xb8;
	[tilespmem:$0x1C400] =	vst v63  }
0x31: {  	s17 =	simm.s32 $0x3C00  }
0x32: {  	[tilespmem:s17], [sflag:$0x1] =	stream.indirect_vreg.gather [hbm4b:s7+s3], $0x80, v3, vm0, $0xb8;
	[tilespmem:$0x1C400] =	vst v63  }
0x33: {  	v3 =	vld [tilespmem:$0x10];
	_ =	sdelay $0x4  }
0x34: {  	v57 =	vshll.u32 v3, $0x3  }
0x35: {  	v3 =	vand.u32 $0x7, v3;
	v4 =	vand.u32 $0xFFFFFFC0, v57  }
0x36: {  	v3 =	vor.u32 v3, v4  }
0x37: {  	v4 =	vperm.xlane v3, v0;
	_ =	sdelay $0x1  }
0x38: {  	v4 =	vadd.s32 v1, v4;
	_ =	sdelay $0x4  }
0x39: {  	[tilespmem:s18], [sflag:$0x1] =	stream.indirect_vreg.gather [hbm4b:s2+s3], $0x80, v4, vm0, $0xb8;
	[tilespmem:$0x1C400] =	vst v63  }
0x3a: {  	v3 =	vperm.xlane v3, v2  }
0x3b: {  	[tilespmem:s24], [sflag:$0x1] =	stream.indirect_vreg.gather [hbm4b:s5+s3], $0x80, v4, vm0, $0xb8;
	[tilespmem:$0x1C400] =	vst v63  }
0x3c: {  	v3 =	vadd.s32 v1, v3  }
0x3d: {  	[tilespmem:s19], [sflag:$0x1] =	stream.indirect_vreg.gather [hbm4b:s6+s3], $0x80, v4, vm0, $0xb8;
	[tilespmem:$0x1C400] =	vst v63  }
0x3e: {  	_ = 	snop  }
0x3f: {  	[tilespmem:s1], [sflag:$0x1] =	stream.indirect_vreg.gather [hbm4b:s7+s3], $0x80, v4, vm0, $0xb8;
	[tilespmem:$0x1C400] =	vst v63  }
0x40: {  	_ = 	snop  }
0x41: {  	[tilespmem:s20], [sflag:$0x1] =	stream.indirect_vreg.gather [hbm4b:s2+s3], $0x80, v3, vm0, $0xb8;
	[tilespmem:$0x1C400] =	vst v63  }
0x42: {  	_ = 	snop  }
0x43: {  	[tilespmem:s0], [sflag:$0x1] =	stream.indirect_vreg.gather [hbm4b:s5+s3], $0x80, v3, vm0, $0xb8;
	[tilespmem:$0x1C400] =	vst v63  }
0x44: {  	_ = 	snop  }
0x45: {  	[tilespmem:s21], [sflag:$0x1] =	stream.indirect_vreg.gather [hbm4b:s6+s3], $0x80, v3, vm0, $0xb8;
	[tilespmem:$0x1C400] =	vst v63  }
0x46: {  	_ = 	snop  }
0x47: {  	[tilespmem:s12], [sflag:$0x1] =	stream.indirect_vreg.gather [hbm4b:s7+s3], $0x80, v3, vm0, $0xb8;
	[tilespmem:$0x1C400] =	vst v63  }
0x48: {  	v3 =	vld [tilespmem:$0x20];
	_ =	sdelay $0x4  }
0x49: {  	v58 =	vshll.u32 v3, $0x3  }
0x4a: {  	v3 =	vand.u32 $0x7, v3;
	v4 =	vand.u32 $0xFFFFFFC0, v58  }
0x4b: {  	v3 =	vor.u32 v3, v4  }
0x4c: {  	v4 =	vperm.xlane v3, v0;
	_ =	sdelay $0x1  }
0x4d: {  	v4 =	vadd.s32 v1, v4;
	_ =	sdelay $0x4  }
0x4e: {  	[tilespmem:s4], [sflag:$0x1] =	stream.indirect_vreg.gather [hbm4b:s2+s3], $0x80, v4, vm0, $0xb8;
	[tilespmem:$0x1C400] =	vst v63  }
0x4f: {  	v3 =	vperm.xlane v3, v2  }
0x50: {  	[tilespmem:s8], [sflag:$0x1] =	stream.indirect_vreg.gather [hbm4b:s5+s3], $0x80, v4, vm0, $0xb8;
	[tilespmem:$0x1C400] =	vst v63  }
0x51: {  	v3 =	vadd.s32 v1, v3  }
0x52: {  	[tilespmem:s9], [sflag:$0x1] =	stream.indirect_vreg.gather [hbm4b:s6+s3], $0x80, v4, vm0, $0xb8;
	[tilespmem:$0x1C400] =	vst v63  }
0x53: {  	_ = 	snop  }
0x54: {  	[tilespmem:s10], [sflag:$0x1] =	stream.indirect_vreg.gather [hbm4b:s7+s3], $0x80, v4, vm0, $0xb8;
	[tilespmem:$0x1C400] =	vst v63  }
0x55: {  	_ = 	snop  }
0x56: {  	[tilespmem:s11], [sflag:$0x1] =	stream.indirect_vreg.gather [hbm4b:s2+s3], $0x80, v3, vm0, $0xb8;
	[tilespmem:$0x1C400] =	vst v63  }
0x57: {  	_ = 	snop  }
0x58: {  	[tilespmem:s14], [sflag:$0x1] =	stream.indirect_vreg.gather [hbm4b:s5+s3], $0x80, v3, vm0, $0xb8;
	[tilespmem:$0x1C400] =	vst v63  }
0x59: {  	_ = 	snop  }
0x5a: {  	[tilespmem:s22], [sflag:$0x1] =	stream.indirect_vreg.gather [hbm4b:s6+s3], $0x80, v3, vm0, $0xb8;
	[tilespmem:$0x1C400] =	vst v63  }
0x5b: {  	_ = 	snop  }
0x5c: {  	[tilespmem:s23], [sflag:$0x1] =	stream.indirect_vreg.gather [hbm4b:s7+s3], $0x80, v3, vm0, $0xb8;
	[tilespmem:$0x1C400] =	vst v63  }
0x5d: {  	v3 =	vld.msk [tilespmem:$0x30], $0xff;
	_ =	sdelay $0x4  }
0x5e: {  	v59 =	vshll.u32 v3, $0x3  }
0x5f: {  	v3 =	vand.u32 $0x7, v3;
	v4 =	vand.u32 $0xFFFFFFC0, v59  }
0x60: {  	v3 =	vor.u32 v3, v4  }
0x61: {  	v3 =	vperm.xlane v3, v0;
	_ =	sdelay $0x1  }
0x62: {  	v3 =	vadd.s32 v1, v3;
	_ =	sdelay $0x4  }
0x63: {  	[tilespmem:s25], [sflag:$0x1] =	stream.indirect_vreg.gather [hbm4b:s2+s3], $0x80, v3, vm0, $0xb8;
	[tilespmem:$0x1C400] =	vst v63  }
0x64: {  	_ = 	snop  }
0x65: {  	[tilespmem:s26], [sflag:$0x1] =	stream.indirect_vreg.gather [hbm4b:s5+s3], $0x80, v3, vm0, $0xb8;
	[tilespmem:$0x1C400] =	vst v63  }
0x66: {  	_ = 	snop  }
0x67: {  	[tilespmem:s28], [sflag:$0x1] =	stream.indirect_vreg.gather [hbm4b:s6+s3], $0x80, v3, vm0, $0xb8;
	[tilespmem:$0x1C400] =	vst v63  }
0x68: {  	_ = 	snop  }
0x69: {  	[tilespmem:s13], [sflag:$0x1] =	stream.indirect_vreg.gather [hbm4b:s7+s3], $0x80, v3, vm0, $0xb8;
	[tilespmem:$0x1C400] =	vst v63  }
0x6a: {  	v3 =	vld [tilespmem:$0x38];
	_ =	sdelay $0x4  }
0x6b: {  	v60 =	vshll.u32 v3, $0x3  }
0x6c: {  	v3 =	vand.u32 $0x7, v3;
	v4 =	vand.u32 $0xFFFFFFC0, v60  }
0x6d: {  	v3 =	vor.u32 v3, v4  }
0x6e: {  	v4 =	vperm.xlane v3, v0;
	_ =	sdelay $0x1  }
0x6f: {  	v4 =	vadd.s32 v1, v4;
	_ =	sdelay $0x4  }
0x70: {  	[tilespmem:s30], [sflag:$0x1] =	stream.indirect_vreg.gather [hbm4b:s2+s3], $0x80, v4, vm0, $0xb8;
	[tilespmem:$0x1C400] =	vst v63  }
0x71: {  	s24 =	simm.s32 $0xEC00;
	v3 =	vperm.xlane v3, v2  }
0x72: {  	[tilespmem:s24], [sflag:$0x1] =	stream.indirect_vreg.gather [hbm4b:s5+s3], $0x80, v4, vm0, $0xb8;
	[tilespmem:$0x1C400] =	vst v63  }
0x73: {  	s25 =	simm.s32 $0xF400;
	v3 =	vadd.s32 v1, v3  }
0x74: {  	[tilespmem:s25], [sflag:$0x1] =	stream.indirect_vreg.gather [hbm4b:s6+s3], $0x80, v4, vm0, $0xb8;
	[tilespmem:$0x1C400] =	vst v63  }
0x75: {  	s26 =	simm.s32 $0xFC00  }
0x76: {  	[tilespmem:s26], [sflag:$0x1] =	stream.indirect_vreg.gather [hbm4b:s7+s3], $0x80, v4, vm0, $0xb8;
	[tilespmem:$0x1C400] =	vst v63  }
0x77: {  	s30 =	simm.s32 $0x10400  }
0x78: {  	[tilespmem:s30], [sflag:$0x1] =	stream.indirect_vreg.gather [hbm4b:s2+s3], $0x80, v3, vm0, $0xb8;
	[tilespmem:$0x1C400] =	vst v63  }
0x79: {  	s1 =	simm.s32 $0x10C00  }
0x7a: {  	[tilespmem:s1], [sflag:$0x1] =	stream.indirect_vreg.gather [hbm4b:s5+s3], $0x80, v3, vm0, $0xb8;
	[tilespmem:$0x1C400] =	vst v63  }
0x7b: {  	s4 =	simm.s32 $0x11400  }
0x7c: {  	[tilespmem:s4], [sflag:$0x1] =	stream.indirect_vreg.gather [hbm4b:s6+s3], $0x80, v3, vm0, $0xb8;
	[tilespmem:$0x1C400] =	vst v63  }
0x7d: {  	s8 =	simm.s32 $0x11C00  }
0x7e: {  	[tilespmem:s8], [sflag:$0x1] =	stream.indirect_vreg.gather [hbm4b:s7+s3], $0x80, v3, vm0, $0xb8;
	[tilespmem:$0x1C400] =	vst v63  }
0x7f: {  	v3 =	vld [tilespmem:$0x48];
	_ =	sdelay $0x4  }
0x80: {  	v61 =	vshll.u32 v3, $0x3  }
0x81: {  	v3 =	vand.u32 $0x7, v3;
	v4 =	vand.u32 $0xFFFFFFC0, v61  }
0x82: {  	v3 =	vor.u32 v3, v4  }
0x83: {  	v4 =	vperm.xlane v3, v0;
	_ =	sdelay $0x1  }
0x84: {  	v4 =	vadd.s32 v1, v4;
	_ =	sdelay $0x3  }
0x85: {  	s9 =	simm.s32 $0x12400  }
0x86: {  	[tilespmem:s9], [sflag:$0x1] =	stream.indirect_vreg.gather [hbm4b:s2+s3], $0x80, v4, vm0, $0xb8;
	[tilespmem:$0x1C400] =	vst v63  }
0x87: {  	s10 =	simm.s32 $0x12C00;
	v3 =	vperm.xlane v3, v2  }
0x88: {  	[tilespmem:s10], [sflag:$0x1] =	stream.indirect_vreg.gather [hbm4b:s5+s3], $0x80, v4, vm0, $0xb8;
	[tilespmem:$0x1C400] =	vst v63  }
0x89: {  	s11 =	simm.s32 $0x13400;
	v3 =	vadd.s32 v1, v3  }
0x8a: {  	[tilespmem:s11], [sflag:$0x1] =	stream.indirect_vreg.gather [hbm4b:s6+s3], $0x80, v4, vm0, $0xb8;
	[tilespmem:$0x1C400] =	vst v63  }
0x8b: {  	s12 =	simm.s32 $0x13C00  }
0x8c: {  	[tilespmem:s12], [sflag:$0x1] =	stream.indirect_vreg.gather [hbm4b:s7+s3], $0x80, v4, vm0, $0xb8;
	[tilespmem:$0x1C400] =	vst v63  }
0x8d: {  	s13 =	simm.s32 $0x14400  }
0x8e: {  	[tilespmem:s13], [sflag:$0x1] =	stream.indirect_vreg.gather [hbm4b:s2+s3], $0x80, v3, vm0, $0xb8;
	[tilespmem:$0x1C400] =	vst v63  }
0x8f: {  	s14 =	simm.s32 $0x14C00  }
0x90: {  	[tilespmem:s14], [sflag:$0x1] =	stream.indirect_vreg.gather [hbm4b:s5+s3], $0x80, v3, vm0, $0xb8;
	[tilespmem:$0x1C400] =	vst v63  }
0x91: {  	s16 =	simm.s32 $0x15400  }
0x92: {  	[tilespmem:s16], [sflag:$0x1] =	stream.indirect_vreg.gather [hbm4b:s6+s3], $0x80, v3, vm0, $0xb8;
	[tilespmem:$0x1C400] =	vst v63  }
0x93: {  	s17 =	simm.s32 $0x15C00  }
0x94: {  	[tilespmem:s17], [sflag:$0x1] =	stream.indirect_vreg.gather [hbm4b:s7+s3], $0x80, v3, vm0, $0xb8;
	[tilespmem:$0x1C400] =	vst v63  }
0x95: {  	v3 =	vld [tilespmem:$0x58];
	_ =	sdelay $0x4  }
0x96: {  	v62 =	vshll.u32 v3, $0x3  }
0x97: {  	v3 =	vand.u32 $0x7, v3;
	v4 =	vand.u32 $0xFFFFFFC0, v62  }
0x98: {  	v3 =	vor.u32 v3, v4  }
0x99: {  	v4 =	vperm.xlane v3, v0;
	_ =	sdelay $0x1  }
0x9a: {  	v4 =	vadd.s32 v1, v4;
	_ =	sdelay $0x3  }
0x9b: {  	s18 =	simm.s32 $0x16400  }
0x9c: {  	[tilespmem:s18], [sflag:$0x1] =	stream.indirect_vreg.gather [hbm4b:s2+s3], $0x80, v4, vm0, $0xb8;
	[tilespmem:$0x1C400] =	vst v63  }
0x9d: {  	s19 =	simm.s32 $0x16C00;
	v3 =	vperm.xlane v3, v2  }
0x9e: {  	[tilespmem:s19], [sflag:$0x1] =	stream.indirect_vreg.gather [hbm4b:s5+s3], $0x80, v4, vm0, $0xb8;
	[tilespmem:$0x1C400] =	vst v63  }
0x9f: {  	s20 =	simm.s32 $0x17400;
	v3 =	vadd.s32 v1, v3  }
0xa0: {  	[tilespmem:s20], [sflag:$0x1] =	stream.indirect_vreg.gather [hbm4b:s6+s3], $0x80, v4, vm0, $0xb8;
	[tilespmem:$0x1C400] =	vst v63  }
0xa1: {  	s21 =	simm.s32 $0x17C00  }
0xa2: {  	[tilespmem:s21], [sflag:$0x1] =	stream.indirect_vreg.gather [hbm4b:s7+s3], $0x80, v4, vm0, $0xb8;
	[tilespmem:$0x1C400] =	vst v63  }
0xa3: {  	s22 =	simm.s32 $0x18400  }
0xa4: {  	[tilespmem:s22], [sflag:$0x1] =	stream.indirect_vreg.gather [hbm4b:s2+s3], $0x80, v3, vm0, $0xb8;
	[tilespmem:$0x1C400] =	vst v63  }
0xa5: {  	s23 =	simm.s32 $0x18C00  }
0xa6: {  	[tilespmem:s23], [sflag:$0x1] =	stream.indirect_vreg.gather [hbm4b:s5+s3], $0x80, v3, vm0, $0xb8;
	[tilespmem:$0x1C400] =	vst v63  }
0xa7: {  	s24 =	simm.s32 $0x19400  }
0xa8: {  	[tilespmem:s24], [sflag:$0x1] =	stream.indirect_vreg.gather [hbm4b:s6+s3], $0x80, v3, vm0, $0xb8;
	[tilespmem:$0x1C400] =	vst v63  }
0xa9: {  	s25 =	simm.s32 $0x19C00  }
0xaa: {  	[tilespmem:s25], [sflag:$0x1] =	stream.indirect_vreg.gather [hbm4b:s7+s3], $0x80, v3, vm0, $0xb8;
	[tilespmem:$0x1C400] =	vst v63  }
0xab: {  	v3 =	vld.msk [tilespmem:$0x68], $0xff;
	_ =	sdelay $0x4  }
0xac: {  	v63 =	vshll.u32 v3, $0x3  }
0xad: {  	v3 =	vand.u32 $0x7, v3;
	v4 =	vand.u32 $0xFFFFFFC0, v63  }
0xae: {  	v3 =	vor.u32 v3, v4  }
0xaf: {  	v3 =	vperm.xlane v3, v0;
	_ =	sdelay $0x1  }
0xb0: {  	s31 =	simm.s32 $0x1B400;
	s0 =	simm.s32 $0x6C00;
	v3 =	vadd.s32 v1, v3  }
0xb1: {  	s28 =	simm.s32 $0xD400;
	s26 =	simm.s32 $0x1A400;
	s30 =	simm.s32 $0x1AC00  }
0xb2: {  	s1 =	simm.s32 $0x5C00;
	s4 =	simm.s32 $0x8400;
	s8 =	simm.s32 $0x8C00  }
0xb3: {  	s9 =	simm.s32 $0x9400;
	s10 =	simm.s32 $0x9C00;
	s11 =	simm.s32 $0xA400  }
0xb4: {  	s12 =	simm.s32 $0x7C00;
	s13 =	simm.s32 $0xDC00;
	s14 =	simm.s32 $0xAC00  }
0xb5: {  	[tilespmem:s26], [sflag:$0x1] =	stream.indirect_vreg.gather [hbm4b:s2+s3], $0x80, v3, vm0, $0xb8;
	[tilespmem:$0x1C400] =	vst v63  }
0xb6: {  	s16 =	simm.s32 $0xD8;
	s17 =	simm.s32 $0x0;
	s19 =	simm.s32 $0x1BC00  }
0xb7: {  	[tilespmem:s30], [sflag:$0x1] =	stream.indirect_vreg.gather [hbm4b:s5+s3], $0x80, v3, vm0, $0xb8;
	[tilespmem:$0x1C400] =	vst v63  }
0xb8: {  	s20 =	simm.s32 $0x6400;
	s21 =	simm.s32 $0x7400;
	s22 =	simm.s32 $0xB400  }
0xb9: {  	[tilespmem:s31], [sflag:$0x1] =	stream.indirect_vreg.gather [hbm4b:s6+s3], $0x80, v3, vm0, $0xb8;
	[tilespmem:$0x1C400] =	vst v63  }
0xba: {  	s23 =	simm.s32 $0xBC00;
	s25 =	simm.s32 $0xC400;
	s26 =	simm.s32 $0xCC00  }
0xbb: {  	[tilespmem:s19], [sflag:$0x1] =	stream.indirect_vreg.gather [hbm4b:s7+s3], $0x80, v3, vm0, $0xb8;
	[tilespmem:$0x1C400] =	vst v63  }
.LBB2_2:
0xbc: {  	_ =	swait.ge [sflag:s15], $0xE000  }
0xbd: {  	s30 =	rddreg [dreg:$0x4];
	[sflag:s15] =	ssyncset.done $0x0  }
0xbe: {  	s18 =	simm.s32 $0x400;
	[sflag:s15] =	ssyncadd.s32 $0xFFFF2000;
	s30 =	sadd.s32 s17, s30  }
0xbf: {  	[hbm4b:s30+s3] =	stream.linear.scatter [tilespmem:s18], [sflag:$0x2], $0xE000, $0x38;
	[tilespmem:$0x1C400] =	vst v63  }
0xc0: {  	_ =	swait.ge [sflag:s29], $0xE000  }
0xc1: {  	[sflag:s29] =	ssyncset.done $0x0  }
0xc2: {  	[sflag:s29] =	ssyncadd.s32 $0xFFFF2000  }
0xc3: {  	v3 =	vld [tilespmem:s16+$0xFFFFFF98];
	_ =	sdelay $0x4  }
0xc4: {  	v4 =	vshll.u32 v3, $0x3  }
0xc5: {  	v3 =	vand.u32 $0x7, v3;
	v4 =	vand.u32 $0xFFFFFFC0, v4  }
0xc6: {  	v3 =	vor.u32 v3, v4  }
0xc7: {  	v4 =	vperm.xlane v3, v0;
	_ =	sdelay $0x1  }
0xc8: {  	v4 =	vadd.s32 v1, v4;
	_ =	sdelay $0x4  }
0xc9: {  	[tilespmem:s18], [sflag:$0x1] =	stream.indirect_vreg.gather [hbm4b:s2+s3], $0x80, v4, vm0, $0xb8;
	[tilespmem:$0x1C400] =	vst v63  }
0xca: {  	s24 =	simm.s32 $0xC00;
	v3 =	vperm.xlane v3, v2  }
0xcb: {  	[tilespmem:s24], [sflag:$0x1] =	stream.indirect_vreg.gather [hbm4b:s5+s3], $0x80, v4, vm0, $0xb8;
	[tilespmem:$0x1C400] =	vst v63  }
0xcc: {  	v3 =	vadd.s32 v1, v3;
	s24 =	simm.s32 $0x1400  }
0xcd: {  	[tilespmem:s24], [sflag:$0x1] =	stream.indirect_vreg.gather [hbm4b:s6+s3], $0x80, v4, vm0, $0xb8;
	[tilespmem:$0x1C400] =	vst v63  }
0xce: {  	s24 =	simm.s32 $0x1C00  }
0xcf: {  	[tilespmem:s24], [sflag:$0x1] =	stream.indirect_vreg.gather [hbm4b:s7+s3], $0x80, v4, vm0, $0xb8;
	[tilespmem:$0x1C400] =	vst v63  }
0xd0: {  	s24 =	simm.s32 $0x2400  }
0xd1: {  	[tilespmem:s24], [sflag:$0x1] =	stream.indirect_vreg.gather [hbm4b:s2+s3], $0x80, v3, vm0, $0xb8;
	[tilespmem:$0x1C400] =	vst v63  }
0xd2: {  	s24 =	simm.s32 $0x2C00  }
0xd3: {  	[tilespmem:s24], [sflag:$0x1] =	stream.indirect_vreg.gather [hbm4b:s5+s3], $0x80, v3, vm0, $0xb8;
	[tilespmem:$0x1C400] =	vst v63  }
0xd4: {  	s24 =	simm.s32 $0x3400  }
0xd5: {  	[tilespmem:s24], [sflag:$0x1] =	stream.indirect_vreg.gather [hbm4b:s6+s3], $0x80, v3, vm0, $0xb8;
	[tilespmem:$0x1C400] =	vst v63  }
0xd6: {  	s24 =	simm.s32 $0x3C00  }
0xd7: {  	[tilespmem:s24], [sflag:$0x1] =	stream.indirect_vreg.gather [hbm4b:s7+s3], $0x80, v3, vm0, $0xb8;
	[tilespmem:$0x1C400] =	vst v63  }
0xd8: {  	v3 =	vld [tilespmem:s16+$0xFFFFFFA8];
	_ =	sdelay $0x4  }
0xd9: {  	v57 =	vshll.u32 v3, $0x3  }
0xda: {  	v3 =	vand.u32 $0x7, v3;
	v4 =	vand.u32 $0xFFFFFFC0, v57  }
0xdb: {  	v3 =	vor.u32 v3, v4  }
0xdc: {  	v4 =	vperm.xlane v3, v0;
	_ =	sdelay $0x1  }
0xdd: {  	v4 =	vadd.s32 v1, v4;
	_ =	sdelay $0x3  }
0xde: {  	s18 =	simm.s32 $0x4400  }
0xdf: {  	[tilespmem:s18], [sflag:$0x1] =	stream.indirect_vreg.gather [hbm4b:s2+s3], $0x80, v4, vm0, $0xb8;
	[tilespmem:$0x1C400] =	vst v63  }
0xe0: {  	s24 =	simm.s32 $0x4C00;
	v3 =	vperm.xlane v3, v2  }
0xe1: {  	[tilespmem:s24], [sflag:$0x1] =	stream.indirect_vreg.gather [hbm4b:s5+s3], $0x80, v4, vm0, $0xb8;
	[tilespmem:$0x1C400] =	vst v63  }
0xe2: {  	v3 =	vadd.s32 v1, v3;
	s24 =	simm.s32 $0x5400  }
0xe3: {  	[tilespmem:s24], [sflag:$0x1] =	stream.indirect_vreg.gather [hbm4b:s6+s3], $0x80, v4, vm0, $0xb8;
	[tilespmem:$0x1C400] =	vst v63  }
0xe4: {  	_ = 	snop  }
0xe5: {  	[tilespmem:s1], [sflag:$0x1] =	stream.indirect_vreg.gather [hbm4b:s7+s3], $0x80, v4, vm0, $0xb8;
	[tilespmem:$0x1C400] =	vst v63  }
0xe6: {  	_ = 	snop  }
0xe7: {  	[tilespmem:s20], [sflag:$0x1] =	stream.indirect_vreg.gather [hbm4b:s2+s3], $0x80, v3, vm0, $0xb8;
	[tilespmem:$0x1C400] =	vst v63  }
0xe8: {  	_ = 	snop  }
0xe9: {  	[tilespmem:s0], [sflag:$0x1] =	stream.indirect_vreg.gather [hbm4b:s5+s3], $0x80, v3, vm0, $0xb8;
	[tilespmem:$0x1C400] =	vst v63  }
0xea: {  	_ = 	snop  }
0xeb: {  	[tilespmem:s21], [sflag:$0x1] =	stream.indirect_vreg.gather [hbm4b:s6+s3], $0x80, v3, vm0, $0xb8;
	[tilespmem:$0x1C400] =	vst v63  }
0xec: {  	_ = 	snop  }
0xed: {  	[tilespmem:s12], [sflag:$0x1] =	stream.indirect_vreg.gather [hbm4b:s7+s3], $0x80, v3, vm0, $0xb8;
	[tilespmem:$0x1C400] =	vst v63  }
0xee: {  	v3 =	vld [tilespmem:s16+$0xFFFFFFB8];
	_ =	sdelay $0x4  }
0xef: {  	v58 =	vshll.u32 v3, $0x3  }
0xf0: {  	v3 =	vand.u32 $0x7, v3;
	v4 =	vand.u32 $0xFFFFFFC0, v58  }
0xf1: {  	v3 =	vor.u32 v3, v4  }
0xf2: {  	v4 =	vperm.xlane v3, v0;
	_ =	sdelay $0x1  }
0xf3: {  	v4 =	vadd.s32 v1, v4;
	_ =	sdelay $0x4  }
0xf4: {  	[tilespmem:s4], [sflag:$0x1] =	stream.indirect_vreg.gather [hbm4b:s2+s3], $0x80, v4, vm0, $0xb8;
	[tilespmem:$0x1C400] =	vst v63  }
0xf5: {  	v3 =	vperm.xlane v3, v2  }
0xf6: {  	[tilespmem:s8], [sflag:$0x1] =	stream.indirect_vreg.gather [hbm4b:s5+s3], $0x80, v4, vm0, $0xb8;
	[tilespmem:$0x1C400] =	vst v63  }
0xf7: {  	v3 =	vadd.s32 v1, v3  }
0xf8: {  	[tilespmem:s9], [sflag:$0x1] =	stream.indirect_vreg.gather [hbm4b:s6+s3], $0x80, v4, vm0, $0xb8;
	[tilespmem:$0x1C400] =	vst v63  }
0xf9: {  	_ = 	snop  }
0xfa: {  	[tilespmem:s10], [sflag:$0x1] =	stream.indirect_vreg.gather [hbm4b:s7+s3], $0x80, v4, vm0, $0xb8;
	[tilespmem:$0x1C400] =	vst v63  }
0xfb: {  	_ = 	snop  }
0xfc: {  	[tilespmem:s11], [sflag:$0x1] =	stream.indirect_vreg.gather [hbm4b:s2+s3], $0x80, v3, vm0, $0xb8;
	[tilespmem:$0x1C400] =	vst v63  }
0xfd: {  	_ = 	snop  }
0xfe: {  	[tilespmem:s14], [sflag:$0x1] =	stream.indirect_vreg.gather [hbm4b:s5+s3], $0x80, v3, vm0, $0xb8;
	[tilespmem:$0x1C400] =	vst v63  }
0xff: {  	_ = 	snop  }
0x100: {  	[tilespmem:s22], [sflag:$0x1] =	stream.indirect_vreg.gather [hbm4b:s6+s3], $0x80, v3, vm0, $0xb8;
	[tilespmem:$0x1C400] =	vst v63  }
0x101: {  	_ = 	snop  }
0x102: {  	[tilespmem:s23], [sflag:$0x1] =	stream.indirect_vreg.gather [hbm4b:s7+s3], $0x80, v3, vm0, $0xb8;
	[tilespmem:$0x1C400] =	vst v63  }
0x103: {  	v3 =	vld.msk [tilespmem:s16+$0xFFFFFFC8], $0xff;
	_ =	sdelay $0x4  }
0x104: {  	v59 =	vshll.u32 v3, $0x3  }
0x105: {  	v3 =	vand.u32 $0x7, v3;
	v4 =	vand.u32 $0xFFFFFFC0, v59  }
0x106: {  	v3 =	vor.u32 v3, v4  }
0x107: {  	v3 =	vperm.xlane v3, v0;
	_ =	sdelay $0x1  }
0x108: {  	v3 =	vadd.s32 v1, v3;
	_ =	sdelay $0x4  }
0x109: {  	[tilespmem:s25], [sflag:$0x1] =	stream.indirect_vreg.gather [hbm4b:s2+s3], $0x80, v3, vm0, $0xb8;
	[tilespmem:$0x1C400] =	vst v63  }
0x10a: {  	_ = 	snop  }
0x10b: {  	[tilespmem:s26], [sflag:$0x1] =	stream.indirect_vreg.gather [hbm4b:s5+s3], $0x80, v3, vm0, $0xb8;
	[tilespmem:$0x1C400] =	vst v63  }
0x10c: {  	_ = 	snop  }
0x10d: {  	[tilespmem:s28], [sflag:$0x1] =	stream.indirect_vreg.gather [hbm4b:s6+s3], $0x80, v3, vm0, $0xb8;
	[tilespmem:$0x1C400] =	vst v63  }
0x10e: {  	_ = 	snop  }
0x10f: {  	[tilespmem:s13], [sflag:$0x1] =	stream.indirect_vreg.gather [hbm4b:s7+s3], $0x80, v3, vm0, $0xb8;
	[tilespmem:$0x1C400] =	vst v63  }
0x110: {  	_ =	swait.ge [sflag:s15], $0xE000  }
0x111: {  	[sflag:s15] =	ssyncset.done $0x0  }
0x112: {  	s30 =	sadd.s32 $0x1C00, s30;
	s24 =	simm.s32 $0xE400;
	[sflag:s15] =	ssyncadd.s32 $0xFFFF2000  }
0x113: {  	[hbm4b:s30+s3] =	stream.linear.scatter [tilespmem:s24], [sflag:$0x2], $0xE000, $0x38;
	[tilespmem:$0x1C400] =	vst v63  }
0x114: {  	_ =	swait.ge [sflag:s29], $0xE000  }
0x115: {  	[sflag:s29] =	ssyncset.done $0x0  }
0x116: {  	[sflag:s29] =	ssyncadd.s32 $0xFFFF2000  }
0x117: {  	v3 =	vld [tilespmem:s16+$0xFFFFFFD0];
	_ =	sdelay $0x4  }
0x118: {  	v60 =	vshll.u32 v3, $0x3  }
0x119: {  	v3 =	vand.u32 $0x7, v3;
	v4 =	vand.u32 $0xFFFFFFC0, v60  }
0x11a: {  	v3 =	vor.u32 v3, v4  }
0x11b: {  	v4 =	vperm.xlane v3, v0;
	_ =	sdelay $0x1  }
0x11c: {  	v4 =	vadd.s32 v1, v4;
	_ =	sdelay $0x4  }
0x11d: {  	[tilespmem:s24], [sflag:$0x1] =	stream.indirect_vreg.gather [hbm4b:s2+s3], $0x80, v4, vm0, $0xb8;
	[tilespmem:$0x1C400] =	vst v63  }
0x11e: {  	v3 =	vperm.xlane v3, v2;
	s24 =	simm.s32 $0xEC00  }
0x11f: {  	[tilespmem:s24], [sflag:$0x1] =	stream.indirect_vreg.gather [hbm4b:s5+s3], $0x80, v4, vm0, $0xb8;
	[tilespmem:$0x1C400] =	vst v63  }
0x120: {  	v3 =	vadd.s32 v1, v3;
	s24 =	simm.s32 $0xF400  }
0x121: {  	[tilespmem:s24], [sflag:$0x1] =	stream.indirect_vreg.gather [hbm4b:s6+s3], $0x80, v4, vm0, $0xb8;
	[tilespmem:$0x1C400] =	vst v63  }
0x122: {  	s24 =	simm.s32 $0xFC00  }
0x123: {  	[tilespmem:s24], [sflag:$0x1] =	stream.indirect_vreg.gather [hbm4b:s7+s3], $0x80, v4, vm0, $0xb8;
	[tilespmem:$0x1C400] =	vst v63  }
0x124: {  	s24 =	simm.s32 $0x10400  }
0x125: {  	[tilespmem:s24], [sflag:$0x1] =	stream.indirect_vreg.gather [hbm4b:s2+s3], $0x80, v3, vm0, $0xb8;
	[tilespmem:$0x1C400] =	vst v63  }
0x126: {  	s24 =	simm.s32 $0x10C00  }
0x127: {  	[tilespmem:s24], [sflag:$0x1] =	stream.indirect_vreg.gather [hbm4b:s5+s3], $0x80, v3, vm0, $0xb8;
	[tilespmem:$0x1C400] =	vst v63  }
0x128: {  	s24 =	simm.s32 $0x11400  }
0x129: {  	[tilespmem:s24], [sflag:$0x1] =	stream.indirect_vreg.gather [hbm4b:s6+s3], $0x80, v3, vm0, $0xb8;
	[tilespmem:$0x1C400] =	vst v63  }
0x12a: {  	s24 =	simm.s32 $0x11C00  }
0x12b: {  	[tilespmem:s24], [sflag:$0x1] =	stream.indirect_vreg.gather [hbm4b:s7+s3], $0x80, v3, vm0, $0xb8;
	[tilespmem:$0x1C400] =	vst v63  }
0x12c: {  	v3 =	vld [tilespmem:s16+$0xFFFFFFE0];
	_ =	sdelay $0x4  }
0x12d: {  	v61 =	vshll.u32 v3, $0x3  }
0x12e: {  	v3 =	vand.u32 $0x7, v3;
	v4 =	vand.u32 $0xFFFFFFC0, v61  }
0x12f: {  	v3 =	vor.u32 v3, v4  }
0x130: {  	v4 =	vperm.xlane v3, v0;
	_ =	sdelay $0x1  }
0x131: {  	v4 =	vadd.s32 v1, v4;
	_ =	sdelay $0x3  }
0x132: {  	s24 =	simm.s32 $0x12400  }
0x133: {  	[tilespmem:s24], [sflag:$0x1] =	stream.indirect_vreg.gather [hbm4b:s2+s3], $0x80, v4, vm0, $0xb8;
	[tilespmem:$0x1C400] =	vst v63  }
0x134: {  	v3 =	vperm.xlane v3, v2;
	s24 =	simm.s32 $0x12C00  }
0x135: {  	[tilespmem:s24], [sflag:$0x1] =	stream.indirect_vreg.gather [hbm4b:s5+s3], $0x80, v4, vm0, $0xb8;
	[tilespmem:$0x1C400] =	vst v63  }
0x136: {  	v3 =	vadd.s32 v1, v3;
	s24 =	simm.s32 $0x13400  }
0x137: {  	[tilespmem:s24], [sflag:$0x1] =	stream.indirect_vreg.gather [hbm4b:s6+s3], $0x80, v4, vm0, $0xb8;
	[tilespmem:$0x1C400] =	vst v63  }
0x138: {  	s24 =	simm.s32 $0x13C00  }
0x139: {  	[tilespmem:s24], [sflag:$0x1] =	stream.indirect_vreg.gather [hbm4b:s7+s3], $0x80, v4, vm0, $0xb8;
	[tilespmem:$0x1C400] =	vst v63  }
0x13a: {  	s24 =	simm.s32 $0x14400  }
0x13b: {  	[tilespmem:s24], [sflag:$0x1] =	stream.indirect_vreg.gather [hbm4b:s2+s3], $0x80, v3, vm0, $0xb8;
	[tilespmem:$0x1C400] =	vst v63  }
0x13c: {  	s24 =	simm.s32 $0x14C00  }
0x13d: {  	[tilespmem:s24], [sflag:$0x1] =	stream.indirect_vreg.gather [hbm4b:s5+s3], $0x80, v3, vm0, $0xb8;
	[tilespmem:$0x1C400] =	vst v63  }
0x13e: {  	s24 =	simm.s32 $0x15400  }
0x13f: {  	[tilespmem:s24], [sflag:$0x1] =	stream.indirect_vreg.gather [hbm4b:s6+s3], $0x80, v3, vm0, $0xb8;
	[tilespmem:$0x1C400] =	vst v63  }
0x140: {  	s24 =	simm.s32 $0x15C00  }
0x141: {  	[tilespmem:s24], [sflag:$0x1] =	stream.indirect_vreg.gather [hbm4b:s7+s3], $0x80, v3, vm0, $0xb8;
	[tilespmem:$0x1C400] =	vst v63  }
0x142: {  	v3 =	vld [tilespmem:s16+$0xFFFFFFF0];
	_ =	sdelay $0x4  }
0x143: {  	v62 =	vshll.u32 v3, $0x3  }
0x144: {  	v3 =	vand.u32 $0x7, v3;
	v4 =	vand.u32 $0xFFFFFFC0, v62  }
0x145: {  	v3 =	vor.u32 v3, v4  }
0x146: {  	v4 =	vperm.xlane v3, v0;
	_ =	sdelay $0x1  }
0x147: {  	v4 =	vadd.s32 v1, v4;
	_ =	sdelay $0x3  }
0x148: {  	s24 =	simm.s32 $0x16400  }
0x149: {  	[tilespmem:s24], [sflag:$0x1] =	stream.indirect_vreg.gather [hbm4b:s2+s3], $0x80, v4, vm0, $0xb8;
	[tilespmem:$0x1C400] =	vst v63  }
0x14a: {  	v3 =	vperm.xlane v3, v2;
	s24 =	simm.s32 $0x16C00  }
0x14b: {  	[tilespmem:s24], [sflag:$0x1] =	stream.indirect_vreg.gather [hbm4b:s5+s3], $0x80, v4, vm0, $0xb8;
	[tilespmem:$0x1C400] =	vst v63  }
0x14c: {  	v3 =	vadd.s32 v1, v3;
	s24 =	simm.s32 $0x17400  }
0x14d: {  	[tilespmem:s24], [sflag:$0x1] =	stream.indirect_vreg.gather [hbm4b:s6+s3], $0x80, v4, vm0, $0xb8;
	[tilespmem:$0x1C400] =	vst v63  }
0x14e: {  	s24 =	simm.s32 $0x17C00  }
0x14f: {  	[tilespmem:s24], [sflag:$0x1] =	stream.indirect_vreg.gather [hbm4b:s7+s3], $0x80, v4, vm0, $0xb8;
	[tilespmem:$0x1C400] =	vst v63  }
0x150: {  	s24 =	simm.s32 $0x18400  }
0x151: {  	[tilespmem:s24], [sflag:$0x1] =	stream.indirect_vreg.gather [hbm4b:s2+s3], $0x80, v3, vm0, $0xb8;
	[tilespmem:$0x1C400] =	vst v63  }
0x152: {  	s24 =	simm.s32 $0x18C00  }
0x153: {  	[tilespmem:s24], [sflag:$0x1] =	stream.indirect_vreg.gather [hbm4b:s5+s3], $0x80, v3, vm0, $0xb8;
	[tilespmem:$0x1C400] =	vst v63  }
0x154: {  	s24 =	simm.s32 $0x19400  }
0x155: {  	[tilespmem:s24], [sflag:$0x1] =	stream.indirect_vreg.gather [hbm4b:s6+s3], $0x80, v3, vm0, $0xb8;
	[tilespmem:$0x1C400] =	vst v63  }
0x156: {  	s24 =	simm.s32 $0x19C00  }
0x157: {  	[tilespmem:s24], [sflag:$0x1] =	stream.indirect_vreg.gather [hbm4b:s7+s3], $0x80, v3, vm0, $0xb8;
	[tilespmem:$0x1C400] =	vst v63  }
0x158: {  	v3 =	vld.msk [tilespmem:s16+$0x0], $0xff;
	_ =	sdelay $0x4  }
0x159: {  	v63 =	vshll.u32 v3, $0x3  }
0x15a: {  	v3 =	vand.u32 $0x7, v3;
	v4 =	vand.u32 $0xFFFFFFC0, v63  }
0x15b: {  	v3 =	vor.u32 v3, v4  }
0x15c: {  	v3 =	vperm.xlane v3, v0;
	_ =	sdelay $0x1  }
0x15d: {  	v3 =	vadd.s32 v1, v3;
	_ =	sdelay $0x3  }
0x15e: {  	s24 =	simm.s32 $0x1A400  }
0x15f: {  	[tilespmem:s24], [sflag:$0x1] =	stream.indirect_vreg.gather [hbm4b:s2+s3], $0x80, v3, vm0, $0xb8;
	[tilespmem:$0x1C400] =	vst v63  }
0x160: {  	p0 =	sne.s32 s17, $0x18800;
	s24 =	simm.s32 $0x1AC00  }
0x161: {  	[tilespmem:s24], [sflag:$0x1] =	stream.indirect_vreg.gather [hbm4b:s5+s3], $0x80, v3, vm0, $0xb8;
	[tilespmem:$0x1C400] =	vst v63  }
.Ltmp0:
0x162: {  	_ = 	snop;
	(pc) =	sbr.rel @p0 .LBB2_2-.Ltmp0, $4  }
0x163: {  	_ = 	snop  }
0x164: {  	[tilespmem:s31], [sflag:$0x1] =	stream.indirect_vreg.gather [hbm4b:s6+s3], $0x80, v3, vm0, $0xb8;
	[tilespmem:$0x1C400] =	vst v63  }
0x165: {  	s17 =	sadd.s32 $0x3800, s17;
	s30 =	simm.s32 $0xE400;
	s16 =	sadd.s32 $0x70, s16  }
0x166: {  	[tilespmem:s19], [sflag:$0x1] =	stream.indirect_vreg.gather [hbm4b:s7+s3], $0x80, v3, vm0, $0xb8;
	[tilespmem:$0x1C400] =	vst v63  }
0x167: {  	_ =	swait.ge [sflag:s15], $0xE000  }
0x168: {  	[sflag:s15] =	ssyncset.done $0x0  }
0x169: {  	s0 =	simm.s32 $0x400;
	s16 =	rddreg [dreg:$0x6];
	[sflag:s15] =	ssyncadd.s32 $0xFFFF2000  }
0x16a: {  	[hbm4b:s16+s3] =	stream.linear.scatter [tilespmem:s0], [sflag:$0x2], $0xE000, $0x38;
	[tilespmem:$0x1C400] =	vst v63  }
0x16b: {  	_ =	swait.ge [sflag:s29], $0xE000  }
0x16c: {  	[sflag:s29] =	ssyncset.done $0x0  }
0x16d: {  	[sflag:s29] =	ssyncadd.s32 $0xFFFF2000  }
0x16e: {  	v3 =	vld [tilespmem:$0x3F0];
	_ =	sdelay $0x4  }
0x16f: {  	v4 =	vshll.u32 v3, $0x3  }
0x170: {  	v3 =	vand.u32 $0x7, v3;
	v4 =	vand.u32 $0xFFFFFFC0, v4  }
0x171: {  	v3 =	vor.u32 v3, v4  }
0x172: {  	v4 =	vperm.xlane v3, v0;
	_ =	sdelay $0x1  }
0x173: {  	v4 =	vadd.s32 v1, v4;
	_ =	sdelay $0x4  }
0x174: {  	[tilespmem:s0], [sflag:$0x1] =	stream.indirect_vreg.gather [hbm4b:s2+s3], $0x80, v4, vm0, $0xb8;
	[tilespmem:$0x1C400] =	vst v63  }
0x175: {  	s17 =	simm.s32 $0xC00;
	v3 =	vperm.xlane v3, v2  }
0x176: {  	[tilespmem:s17], [sflag:$0x1] =	stream.indirect_vreg.gather [hbm4b:s5+s3], $0x80, v4, vm0, $0xb8;
	[tilespmem:$0x1C400] =	vst v63  }
0x177: {  	s19 =	simm.s32 $0x1400;
	v3 =	vadd.s32 v1, v3  }
0x178: {  	[tilespmem:s19], [sflag:$0x1] =	stream.indirect_vreg.gather [hbm4b:s6+s3], $0x80, v4, vm0, $0xb8;
	[tilespmem:$0x1C400] =	vst v63  }
0x179: {  	s20 =	simm.s32 $0x1C00  }
0x17a: {  	[tilespmem:s20], [sflag:$0x1] =	stream.indirect_vreg.gather [hbm4b:s7+s3], $0x80, v4, vm0, $0xb8;
	[tilespmem:$0x1C400] =	vst v63  }
0x17b: {  	s21 =	simm.s32 $0x2400  }
0x17c: {  	[tilespmem:s21], [sflag:$0x1] =	stream.indirect_vreg.gather [hbm4b:s2+s3], $0x80, v3, vm0, $0xb8;
	[tilespmem:$0x1C400] =	vst v63  }
0x17d: {  	s22 =	simm.s32 $0x2C00  }
0x17e: {  	[tilespmem:s22], [sflag:$0x1] =	stream.indirect_vreg.gather [hbm4b:s5+s3], $0x80, v3, vm0, $0xb8;
	[tilespmem:$0x1C400] =	vst v63  }
0x17f: {  	s23 =	simm.s32 $0x3400  }
0x180: {  	[tilespmem:s23], [sflag:$0x1] =	stream.indirect_vreg.gather [hbm4b:s6+s3], $0x80, v3, vm0, $0xb8;
	[tilespmem:$0x1C400] =	vst v63  }
0x181: {  	s24 =	simm.s32 $0x3C00  }
0x182: {  	[tilespmem:s24], [sflag:$0x1] =	stream.indirect_vreg.gather [hbm4b:s7+s3], $0x80, v3, vm0, $0xb8;
	[tilespmem:$0x1C400] =	vst v63  }
0x183: {  	_ =	swait.ge [sflag:s15], $0xE000  }
0x184: {  	[sflag:s15] =	ssyncset.done $0x0  }
0x185: {  	s25 =	rddreg [dreg:$0x7];
	[sflag:s15] =	ssyncadd.s32 $0xFFFF2000  }
0x186: {  	[hbm4b:s25+s3] =	stream.linear.scatter [tilespmem:s30], [sflag:$0x2], $0xE000, $0x38;
	[tilespmem:$0x1C400] =	vst v63  }
0x187: {  	_ =	swait.ge [sflag:s29], $0xE000  }
0x188: {  	[sflag:s29] =	ssyncset.done $0x0  }
0x189: {  	[sflag:s29] =	ssyncadd.s32 $0xFFFF2000  }
0x18a: {  	_ =	swait.ge [sflag:s15], $0x4000  }
0x18b: {  	[sflag:s15] =	ssyncset.done $0x0  }
0x18c: {  	s26 =	rddreg [dreg:$0x8];
	[sflag:s15] =	ssyncadd.s32 $0xFFFFC000  }
0x18d: {  	[hbm4b:s26+s3] =	stream.linear.scatter [tilespmem:s0], [sflag:$0x2], $0x4000, $0x38;
	[tilespmem:$0x1C400] =	vst v63  }
0x18e: {  	s1 =	simm.s32 $0x5C00;
	s12 =	simm.s32 $0x7C00;
	_ =	swait.ge [sflag:s29], $0x4000  }
0x18f: {  	s4 =	simm.s32 $0x8400;
	s8 =	simm.s32 $0x8C00;
	s17 =	rddreg [dreg:$0xa]  }
0x190: {  	s9 =	simm.s32 $0x9400;
	s31 =	rddreg [dreg:$0x9];
	s17 =	sadd.s32 $0x1, s17  }
0x191: {  	s10 =	simm.s32 $0x9C00;
	s11 =	simm.s32 $0xA400;
	p0 =	sne.s32 s17, s31  }
.Ltmp1:
0x192: {  	s14 =	simm.s32 $0xAC00;
	s28 =	simm.s32 $0xD400;
	(pc) =	sbr.rel @p0 .LBB2_1-.Ltmp1, $4  }
0x193: {  	s13 =	simm.s32 $0xDC00;
	s19 =	simm.s32 $0x5400;
	s20 =	simm.s32 $0x6400  }
0x194: {  	s21 =	simm.s32 $0x7400;
	s22 =	simm.s32 $0xB400;
	s23 =	simm.s32 $0xBC00  }
0x195: {  	s24 =	simm.s32 $0x4C00;
	s25 =	simm.s32 $0xC400;
	[sflag:s29] =	ssyncset.done $0x0  }
0x196: {  	s0 =	simm.s32 $0x6C00;
	s26 =	simm.s32 $0xCC00;
	[sflag:s29] =	ssyncadd.s32 $0xFFFFC000  }
0x197: {  	_ =	sfence.sel $0x180000  }
0x198: {  	[bflag:$0x0] =	sbarrier.arrive $0xFFFF  }
0x199: {  	_ =	strace $0x90000047  }
0x19a: {  	s0 =	stileid.u32;
	[bflag:$0x2] =	sbarrier.arrive $0xFFFF  }
0x19b: {  	p0 =	sne.s32 s0, $0x0;
	s0 =	rddreg [dreg:$0x3]  }
0x19c: {  	s0 =	sadd.s32 @!p0 $0x100000, s0  }
0x19d: {  	[sflag:s0] =	ssyncadd.tile.s32 @!p0 $0x1;
	_ =	shalt  }
.Lfunc_end2:
_tile_overlayer_lowered:
.L_overlay_start_2:
0x19e: {  	(tag) =	ssettag $0x2  }
0x19f: {  	s0 =	rddreg [dreg:$0x0];
	s2 =	stileid.u32  }
0x1a0: {  	s1 =	rddreg [dreg:$0x1];
	p0 =	sne.s32 s2, $0x0  }
0x1a1: {  	s3 =	rddreg [dreg:$0x2];
	[bflag:$0x3] =	sbarrier.arrive $0xFFFF;
	s2 =	simm.s32 @!p0 $0x1C03  }
0x1a2: {  	[timem:s3], [sflag:s2] =	dma.local @!p0 [hbm:s0], s1  }
0x1a3: {  	s0 =	simm.s32 @!p0 $0x3  }
0x1a4: {  	_ =	swait.ge @!p0 [sflag:s0], s1  }
0x1a5: {  	s1 =	ssub.s32 @!p0 $0x0, s1;
	[sflag:s0] =	ssyncset.done @!p0 $0x0  }
0x1a6: {  	[sflag:s0] =	ssyncadd.s32 @!p0 s1  }
0x1a7: {  	[bflag:$0x3] =	sbarrier.arrive $0xFFFF  }
0x1a8: {  	_ =	shalt  }

</sc_bundles>
